<compile_context>
chip_gen: v7x
topology: tpu7x:2x2x1
jax: 0.10.2.dev20260603
libtpu: 0.0.44.dev20260713+nightly
codegen_flags: <defaults>
</compile_context>

<pallas_src>
import functools

import jax
import jax.numpy as jnp
from jax import lax
from jax.experimental import pallas as pl
from jax.experimental.pallas import tpu as pltpu
from jax.experimental.pallas import tpu_sc as plsc

VOCAB = 1000000
EMBED_DIM = 32
B1 = 4096
B2 = 200
B_TOTAL = B1 * B2

_info = plsc.get_sparse_core_info()
_NC, _NS = _info.num_cores, _info.num_subcores
_NW = _NC * _NS
_NBLK = (B1 // 128) * B2
_BLK_PER_W = _NBLK // _NW
_IDX_PER_W = _BLK_PER_W * 128


def _make_gather():
    mesh = plsc.VectorSubcoreMesh(core_axis_name="c", subcore_axis_name="s")

    @functools.partial(
        pl.kernel,
        mesh=mesh,
        out_type=jax.ShapeDtypeStruct((B2, 4, B1 // 128, 8, 128), jnp.float32),
        scratch_types=[
            pltpu.VMEM((_IDX_PER_W,), jnp.int32),
            pltpu.VMEM((128, EMBED_DIM), jnp.float32),
            pltpu.VMEM((128, EMBED_DIM), jnp.float32),
            pltpu.VMEM((EMBED_DIM, 133), jnp.float32),
            pltpu.VMEM((EMBED_DIM, 133), jnp.float32),
            [pltpu.SemaphoreType.DMA] * 5,
        ],
        compiler_params=pltpu.CompilerParams(
            use_tc_tiling_on_sc=False, needs_layout_passes=False
        ),
    )
    def gather_kernel(
        table_hbm, idx_hbm, out_hbm, idx_v, rows_a, rows_b, obuf_a, obuf_b, sems
    ):
        rows_ref = (rows_a, rows_b)
        obuf_ref = (obuf_a, obuf_b)
        wid = lax.axis_index("s") * _NC + lax.axis_index("c")
        si, ga, gb, oa, ob = sems
        riota = lax.iota(jnp.int32, 16)

        pltpu.make_async_copy(
            idx_hbm.at[pl.ds(wid * _IDX_PER_W, _IDX_PER_W)], idx_v, si
        ).start()
        pltpu.make_async_copy(
            idx_hbm.at[pl.ds(0, _IDX_PER_W)], idx_v, si
        ).wait()

        def start_gather(j, b, sem):
            pltpu.make_async_copy(
                table_hbm.at[idx_v.at[pl.ds(j * 128, 128)]], rows_ref[b], sem
            ).start()

        def wait_gather(sem):
            pltpu.make_async_copy(
                table_hbm.at[idx_v.at[pl.ds(0, 128)]], rows_ref[0], sem
            ).wait()

        def transpose(b):
            def t_body(i, _):
                for u in range(8):
                    b1r = i * 8 + u
                    bvec = jnp.zeros((16,), jnp.int32) + b1r
                    for h in range(2):
                        v = rows_ref[b][b1r, pl.ds(16 * h, 16)]
                        plsc.store_scatter(obuf_ref[b], [riota + 16 * h, bvec], v)
                return _

            lax.fori_loop(0, 16, t_body, None)

        def start_out(j, b, sem):
            plsc.subcore_barrier()
            g = wid * _BLK_PER_W + j
            b2 = g // 32
            b1g = g % 32
            for eg in range(4):
                pltpu.make_async_copy(
                    obuf_ref[b].at[pl.ds(8 * eg, 8), pl.ds(0, 128)],
                    out_hbm.at[b2, eg, b1g],
                    sem,
                ).start()

        def wait_out(b, sem):
            for _eg in range(4):
                pltpu.make_async_copy(
                    obuf_ref[b].at[pl.ds(0, 8), pl.ds(0, 128)],
                    out_hbm.at[0, 0, 0],
                    sem,
                ).wait()

        start_gather(0, 0, ga)

        def blk_body(i, _):
            ja = 2 * i
            jb = 2 * i + 1
            start_gather(jb, 1, gb)
            wait_gather(ga)

            @pl.when(i > 0)
            def _():
                wait_out(0, oa)

            transpose(0)
            start_out(ja, 0, oa)

            @pl.when(i < _BLK_PER_W // 2 - 1)
            def _():
                start_gather(jb + 1, 0, ga)

            wait_gather(gb)

            @pl.when(i > 0)
            def _():
                wait_out(1, ob)

            transpose(1)
            start_out(jb, 1, ob)
            return _

        lax.fori_loop(0, _BLK_PER_W // 2, blk_body, None)
        wait_out(0, oa)
        wait_out(1, ob)

    return gather_kernel


_gather = _make_gather()


@jax.jit
def kernel(code_tokens, embedding_table):
    idx = code_tokens.T.reshape(B_TOTAL).astype(jnp.int32)
    tab = jax.lax.optimization_barrier(
        embedding_table.reshape(VOCAB // 4, 4 * EMBED_DIM)
    ).reshape(VOCAB, EMBED_DIM)
    out5 = _gather(tab, idx)
    return out5.transpose(2, 4, 0, 1, 3).reshape(B1, B2, EMBED_DIM)

# --- scband reference (transcript-rebuilt; emitter-appended) ---
"""Pipeline reference for scband-code-embedding-layer-19284403159592 (READ-ONLY COPY).

The authoritative reference and input builder live on the scoring server;
editing this copy changes nothing except your own understanding.
"""

import jax, jax.numpy as jnp
import numpy as np

VOCAB = 1000000
EMBED_DIM = 32

def setup_inputs(seed: int = 0) -> dict:
    key = jax.random.key(seed)
    k_idx, k_tab = jax.random.split(key)
    code_tokens = jax.random.randint(k_idx, (4096, 200), 0, VOCAB, dtype=jnp.int64 if jax.config.jax_enable_x64 else jnp.int32)
    embedding_table = jax.random.normal(k_tab, (VOCAB, EMBED_DIM), dtype=jnp.float32)
    return {"code_tokens": code_tokens, "embedding_table": embedding_table}

def reference(code_tokens, embedding_table):
    # nn.Embedding forward: gather rows of the table by index
    return jnp.take(embedding_table, code_tokens, axis=0)

if __name__ == "__main__":
    import jax
    _d = setup_inputs()
    print(jax.jit(kernel)(*tuple(_d.values())))

</pallas_src>

<mosaic_0001>
#map = affine_map<(d0, d1) -> (0, 0)>
#map1 = affine_map<(d0, d1) -> (0)>
#map2 = affine_map<(d0, d1) -> (0, 0, 0, 0, 0)>
module attributes {stable_mosaic.version = 14 : i64} {
  func.func @gather_kernel(%arg0: i32, %arg1: i32, %arg2: memref<1000000x32xf32, #tpu.memory_space<hbm>>, %arg3: memref<819200xi32, #tpu.memory_space<hbm>>, %arg4: memref<200x4x32x8x128xf32, #tpu.memory_space<hbm>>, %arg5: memref<25600xi32, #tpu.memory_space<vmem>>, %arg6: memref<128x32xf32, #tpu.memory_space<vmem>>, %arg7: memref<128x32xf32, #tpu.memory_space<vmem>>, %arg8: memref<32x133xf32, #tpu.memory_space<vmem>>, %arg9: memref<32x133xf32, #tpu.memory_space<vmem>>, %arg10: memref<!tpu.dma_semaphore, #tpu.memory_space<semaphore_mem>>, %arg11: memref<!tpu.dma_semaphore, #tpu.memory_space<semaphore_mem>>, %arg12: memref<!tpu.dma_semaphore, #tpu.memory_space<semaphore_mem>>, %arg13: memref<!tpu.dma_semaphore, #tpu.memory_space<semaphore_mem>>, %arg14: memref<!tpu.dma_semaphore, #tpu.memory_space<semaphore_mem>>) attributes {dimension_semantics = [#tpu.dimension_semantics<core_parallel>, #tpu.dimension_semantics<subcore_parallel>], iteration_bounds = array<i64: 2, 16>, scalar_prefetch = 0 : i64, scratch_operands = 10 : i64, tpu.core_type = #tpu.core_type<sc_vector_subcore>, window_params = [{transform_indices = #map}, {transform_indices = #map1}, {transform_indices = #map2}]} {
    %mul3A = arith.constant 2 : i32
    %mul3A_0 = arith.muli %arg1, %mul3A : i32
    %add3A = arith.addi %mul3A_0, %arg0 : i32
    %iota3A = tpu.iota {dimensions = array<i32: 0>} : vector<16xi32>
    %mul3A_1 = arith.constant 25600 : i32
    %mul3A_2 = arith.muli %add3A, %mul3A_1 : i32
    %dma_start3A = tpu.memref_slice %arg3[%mul3A_2] : memref<819200xi32, #tpu.memory_space<hbm>> -> memref<25600xi32, #tpu.memory_space<hbm>>
    %dma_start3A_3 = tpu.memref_slice %arg3[%mul3A_2] : memref<819200xi32, #tpu.memory_space<hbm>> -> memref<25600xi32, #tpu.memory_space<hbm>>
    tpu.enqueue_dma source(%dma_start3A_3 : memref<25600xi32, #tpu.memory_space<hbm>>) target(%arg5 : memref<25600xi32, #tpu.memory_space<vmem>>) target_semaphore(%arg10 : memref<!tpu.dma_semaphore, #tpu.memory_space<semaphore_mem>>)
    %dma_wait3A = arith.constant 0 : i32
    %dma_wait3A_4 = tpu.memref_slice %arg3[%dma_wait3A] : memref<819200xi32, #tpu.memory_space<hbm>> -> memref<25600xi32, #tpu.memory_space<hbm>>
    %dma_wait3A_5 = arith.constant 0 : i32
    %dma_wait3A_6 = tpu.memref_slice %arg3[%dma_wait3A_5] : memref<819200xi32, #tpu.memory_space<hbm>> -> memref<25600xi32, #tpu.memory_space<hbm>>
    tpu.wait_dma2 semaphore(%arg10 : memref<!tpu.dma_semaphore, #tpu.memory_space<semaphore_mem>>) src(%dma_wait3A_6 : memref<25600xi32, #tpu.memory_space<hbm>>) dst(%arg5 : memref<25600xi32, #tpu.memory_space<vmem>>)
    %dma_start3A_7 = arith.constant 0 : i32
    %dma_start3A_8 = tpu.memref_slice %arg5[%dma_start3A_7] : memref<25600xi32, #tpu.memory_space<vmem>> -> memref<128xi32, #tpu.memory_space<vmem>>
    %dma_start3A_9 = arith.constant 0 : i32
    %dma_start3A_10 = arith.constant 0 : i32
    %dma_start3A_11 = tpu.memref_slice %arg2[%dma_start3A_9, %dma_start3A_10] : memref<1000000x32xf32, #tpu.memory_space<hbm>> -> memref<1000000x32xf32, #tpu.memory_space<hbm>>
    tpu.enqueue_indirect_dma source(%dma_start3A_11 : memref<1000000x32xf32, #tpu.memory_space<hbm>>) target(%arg6 : memref<128x32xf32, #tpu.memory_space<vmem>>) offsets(%dma_start3A_8 : memref<128xi32, #tpu.memory_space<vmem>>) semaphore(%arg11 : memref<!tpu.dma_semaphore, #tpu.memory_space<semaphore_mem>>)
    %scan3A = arith.constant 0 : i32
    %scan3A_12 = arith.constant 100 : i32
    %scan3A_13 = arith.addi %scan3A, %scan3A_12 : i32
    %scan3A_14 = arith.constant 1 : i32
    scf.for %scan3A_152 = %scan3A to %scan3A_13 step %scan3A_14  : i32 {
      %mul3A_153 = arith.constant 2 : i32
      %mul3A_154 = arith.muli %mul3A_153, %scan3A_152 : i32
      %mul3A_155 = arith.constant 2 : i32
      %mul3A_156 = arith.muli %mul3A_155, %scan3A_152 : i32
      %add3A_157 = arith.constant 1 : i32
      %add3A_158 = arith.addi %mul3A_156, %add3A_157 : i32
      %mul3A_159 = arith.constant 128 : i32
      %mul3A_160 = arith.muli %add3A_158, %mul3A_159 : i32
      %dma_start3A_161 = tpu.memref_slice %arg5[%mul3A_160] : memref<25600xi32, #tpu.memory_space<vmem>> -> memref<128xi32, #tpu.memory_space<vmem>>
      %dma_start3A_162 = arith.constant 0 : i32
      %dma_start3A_163 = arith.constant 0 : i32
      %dma_start3A_164 = tpu.memref_slice %arg2[%dma_start3A_162, %dma_start3A_163] : memref<1000000x32xf32, #tpu.memory_space<hbm>> -> memref<1000000x32xf32, #tpu.memory_space<hbm>>
      tpu.enqueue_indirect_dma source(%dma_start3A_164 : memref<1000000x32xf32, #tpu.memory_space<hbm>>) target(%arg7 : memref<128x32xf32, #tpu.memory_space<vmem>>) offsets(%dma_start3A_161 : memref<128xi32, #tpu.memory_space<vmem>>) semaphore(%arg12 : memref<!tpu.dma_semaphore, #tpu.memory_space<semaphore_mem>>)
      %dma_wait3A_165 = arith.constant 0 : i32
      %dma_wait3A_166 = tpu.memref_slice %arg5[%dma_wait3A_165] : memref<25600xi32, #tpu.memory_space<vmem>> -> memref<128xi32, #tpu.memory_space<vmem>>
      %dma_wait3A_167 = arith.constant 0 : i32
      %dma_wait3A_168 = arith.constant 0 : i32
      %dma_wait3A_169 = tpu.memref_slice %arg2[%dma_wait3A_167, %dma_wait3A_168] : memref<1000000x32xf32, #tpu.memory_space<hbm>> -> memref<1000000x32xf32, #tpu.memory_space<hbm>>
      tpu.wait_indirect_dma semaphore(%arg11 : memref<!tpu.dma_semaphore, #tpu.memory_space<semaphore_mem>>) src(%dma_wait3A_169 : memref<1000000x32xf32, #tpu.memory_space<hbm>>) dst(%arg6 : memref<128x32xf32, #tpu.memory_space<vmem>>)
      %gt3A = arith.constant 0 : i32
      %gt3A_170 = arith.cmpi sgt, %scan3A_152, %gt3A : i32
      %convert_element_type3A = arith.extui %gt3A_170 : i1 to i32
      %cond3A = arith.constant 0 : i32
      %cond3A_171 = arith.cmpi ne, %convert_element_type3A, %cond3A : i32
      scf.if %cond3A_171 {
        %dma_wait3A_394 = arith.constant 0 : i32
        %dma_wait3A_395 = arith.constant 0 : i32
        %dma_wait3A_396 = arith.constant 0 : i32
        %dma_wait3A_397 = arith.constant 0 : i32
        %dma_wait3A_398 = arith.constant 0 : i32
        %dma_wait3A_399 = tpu.memref_slice %arg8[%dma_wait3A_397, %dma_wait3A_398] : memref<32x133xf32, #tpu.memory_space<vmem>> -> memref<8x128xf32, #tpu.memory_space<vmem>>
        %dma_wait3A_400 = arith.constant 0 : i32
        %dma_wait3A_401 = arith.constant 0 : i32
        %dma_wait3A_402 = tpu.memref_slice %arg4[%dma_wait3A_394, %dma_wait3A_395, %dma_wait3A_396, %dma_wait3A_400, %dma_wait3A_401] : memref<200x4x32x8x128xf32, #tpu.memory_space<hbm>> -> memref<1x1x1x8x128xf32, #tpu.memory_space<hbm>>
        %dma_wait3A_403 = tpu.memref_squeeze %dma_wait3A_402 : memref<1x1x1x8x128xf32, #tpu.memory_space<hbm>> -> memref<8x128xf32, #tpu.memory_space<hbm>>
        %dma_wait3A_404 = arith.constant 0 : i32
        %dma_wait3A_405 = arith.constant 0 : i32
        %dma_wait3A_406 = tpu.memref_slice %arg4[%dma_wait3A_394, %dma_wait3A_395, %dma_wait3A_396, %dma_wait3A_404, %dma_wait3A_405] : memref<200x4x32x8x128xf32, #tpu.memory_space<hbm>> -> memref<1x1x1x8x128xf32, #tpu.memory_space<hbm>>
        %dma_wait3A_407 = tpu.memref_squeeze %dma_wait3A_406 : memref<1x1x1x8x128xf32, #tpu.memory_space<hbm>> -> memref<8x128xf32, #tpu.memory_space<hbm>>
        %dma_wait3A_408 = arith.constant 0 : i32
        %dma_wait3A_409 = arith.constant 0 : i32
        %dma_wait3A_410 = tpu.memref_slice %arg8[%dma_wait3A_408, %dma_wait3A_409] : memref<32x133xf32, #tpu.memory_space<vmem>> -> memref<8x128xf32, #tpu.memory_space<vmem>>
        tpu.wait_dma2 semaphore(%arg13 : memref<!tpu.dma_semaphore, #tpu.memory_space<semaphore_mem>>) src(%dma_wait3A_410 : memref<8x128xf32, #tpu.memory_space<vmem>>) dst(%dma_wait3A_407 : memref<8x128xf32, #tpu.memory_space<hbm>>)
        %dma_wait3A_411 = arith.constant 0 : i32
        %dma_wait3A_412 = arith.constant 0 : i32
        %dma_wait3A_413 = arith.constant 0 : i32
        %dma_wait3A_414 = arith.constant 0 : i32
        %dma_wait3A_415 = arith.constant 0 : i32
        %dma_wait3A_416 = tpu.memref_slice %arg8[%dma_wait3A_414, %dma_wait3A_415] : memref<32x133xf32, #tpu.memory_space<vmem>> -> memref<8x128xf32, #tpu.memory_space<vmem>>
        %dma_wait3A_417 = arith.constant 0 : i32
        %dma_wait3A_418 = arith.constant 0 : i32
        %dma_wait3A_419 = tpu.memref_slice %arg4[%dma_wait3A_411, %dma_wait3A_412, %dma_wait3A_413, %dma_wait3A_417, %dma_wait3A_418] : memref<200x4x32x8x128xf32, #tpu.memory_space<hbm>> -> memref<1x1x1x8x128xf32, #tpu.memory_space<hbm>>
        %dma_wait3A_420 = tpu.memref_squeeze %dma_wait3A_419 : memref<1x1x1x8x128xf32, #tpu.memory_space<hbm>> -> memref<8x128xf32, #tpu.memory_space<hbm>>
        %dma_wait3A_421 = arith.constant 0 : i32
        %dma_wait3A_422 = arith.constant 0 : i32
        %dma_wait3A_423 = tpu.memref_slice %arg4[%dma_wait3A_411, %dma_wait3A_412, %dma_wait3A_413, %dma_wait3A_421, %dma_wait3A_422] : memref<200x4x32x8x128xf32, #tpu.memory_space<hbm>> -> memref<1x1x1x8x128xf32, #tpu.memory_space<hbm>>
        %dma_wait3A_424 = tpu.memref_squeeze %dma_wait3A_423 : memref<1x1x1x8x128xf32, #tpu.memory_space<hbm>> -> memref<8x128xf32, #tpu.memory_space<hbm>>
        %dma_wait3A_425 = arith.constant 0 : i32
        %dma_wait3A_426 = arith.constant 0 : i32
        %dma_wait3A_427 = tpu.memref_slice %arg8[%dma_wait3A_425, %dma_wait3A_426] : memref<32x133xf32, #tpu.memory_space<vmem>> -> memref<8x128xf32, #tpu.memory_space<vmem>>
        tpu.wait_dma2 semaphore(%arg13 : memref<!tpu.dma_semaphore, #tpu.memory_space<semaphore_mem>>) src(%dma_wait3A_427 : memref<8x128xf32, #tpu.memory_space<vmem>>) dst(%dma_wait3A_424 : memref<8x128xf32, #tpu.memory_space<hbm>>)
        %dma_wait3A_428 = arith.constant 0 : i32
        %dma_wait3A_429 = arith.constant 0 : i32
        %dma_wait3A_430 = arith.constant 0 : i32
        %dma_wait3A_431 = arith.constant 0 : i32
        %dma_wait3A_432 = arith.constant 0 : i32
        %dma_wait3A_433 = tpu.memref_slice %arg8[%dma_wait3A_431, %dma_wait3A_432] : memref<32x133xf32, #tpu.memory_space<vmem>> -> memref<8x128xf32, #tpu.memory_space<vmem>>
        %dma_wait3A_434 = arith.constant 0 : i32
        %dma_wait3A_435 = arith.constant 0 : i32
        %dma_wait3A_436 = tpu.memref_slice %arg4[%dma_wait3A_428, %dma_wait3A_429, %dma_wait3A_430, %dma_wait3A_434, %dma_wait3A_435] : memref<200x4x32x8x128xf32, #tpu.memory_space<hbm>> -> memref<1x1x1x8x128xf32, #tpu.memory_space<hbm>>
        %dma_wait3A_437 = tpu.memref_squeeze %dma_wait3A_436 : memref<1x1x1x8x128xf32, #tpu.memory_space<hbm>> -> memref<8x128xf32, #tpu.memory_space<hbm>>
        %dma_wait3A_438 = arith.constant 0 : i32
        %dma_wait3A_439 = arith.constant 0 : i32
        %dma_wait3A_440 = tpu.memref_slice %arg4[%dma_wait3A_428, %dma_wait3A_429, %dma_wait3A_430, %dma_wait3A_438, %dma_wait3A_439] : memref<200x4x32x8x128xf32, #tpu.memory_space<hbm>> -> memref<1x1x1x8x128xf32, #tpu.memory_space<hbm>>
        %dma_wait3A_441 = tpu.memref_squeeze %dma_wait3A_440 : memref<1x1x1x8x128xf32, #tpu.memory_space<hbm>> -> memref<8x128xf32, #tpu.memory_space<hbm>>
        %dma_wait3A_442 = arith.constant 0 : i32
        %dma_wait3A_443 = arith.constant 0 : i32
        %dma_wait3A_444 = tpu.memref_slice %arg8[%dma_wait3A_442, %dma_wait3A_443] : memref<32x133xf32, #tpu.memory_space<vmem>> -> memref<8x128xf32, #tpu.memory_space<vmem>>
        tpu.wait_dma2 semaphore(%arg13 : memref<!tpu.dma_semaphore, #tpu.memory_space<semaphore_mem>>) src(%dma_wait3A_444 : memref<8x128xf32, #tpu.memory_space<vmem>>) dst(%dma_wait3A_441 : memref<8x128xf32, #tpu.memory_space<hbm>>)
        %dma_wait3A_445 = arith.constant 0 : i32
        %dma_wait3A_446 = arith.constant 0 : i32
        %dma_wait3A_447 = arith.constant 0 : i32
        %dma_wait3A_448 = arith.constant 0 : i32
        %dma_wait3A_449 = arith.constant 0 : i32
        %dma_wait3A_450 = tpu.memref_slice %arg8[%dma_wait3A_448, %dma_wait3A_449] : memref<32x133xf32, #tpu.memory_space<vmem>> -> memref<8x128xf32, #tpu.memory_space<vmem>>
        %dma_wait3A_451 = arith.constant 0 : i32
        %dma_wait3A_452 = arith.constant 0 : i32
        %dma_wait3A_453 = tpu.memref_slice %arg4[%dma_wait3A_445, %dma_wait3A_446, %dma_wait3A_447, %dma_wait3A_451, %dma_wait3A_452] : memref<200x4x32x8x128xf32, #tpu.memory_space<hbm>> -> memref<1x1x1x8x128xf32, #tpu.memory_space<hbm>>
        %dma_wait3A_454 = tpu.memref_squeeze %dma_wait3A_453 : memref<1x1x1x8x128xf32, #tpu.memory_space<hbm>> -> memref<8x128xf32, #tpu.memory_space<hbm>>
        %dma_wait3A_455 = arith.constant 0 : i32
        %dma_wait3A_456 = arith.constant 0 : i32
        %dma_wait3A_457 = tpu.memref_slice %arg4[%dma_wait3A_445, %dma_wait3A_446, %dma_wait3A_447, %dma_wait3A_455, %dma_wait3A_456] : memref<200x4x32x8x128xf32, #tpu.memory_space<hbm>> -> memref<1x1x1x8x128xf32, #tpu.memory_space<hbm>>
        %dma_wait3A_458 = tpu.memref_squeeze %dma_wait3A_457 : memref<1x1x1x8x128xf32, #tpu.memory_space<hbm>> -> memref<8x128xf32, #tpu.memory_space<hbm>>
        %dma_wait3A_459 = arith.constant 0 : i32
        %dma_wait3A_460 = arith.constant 0 : i32
        %dma_wait3A_461 = tpu.memref_slice %arg8[%dma_wait3A_459, %dma_wait3A_460] : memref<32x133xf32, #tpu.memory_space<vmem>> -> memref<8x128xf32, #tpu.memory_space<vmem>>
        tpu.wait_dma2 semaphore(%arg13 : memref<!tpu.dma_semaphore, #tpu.memory_space<semaphore_mem>>) src(%dma_wait3A_461 : memref<8x128xf32, #tpu.memory_space<vmem>>) dst(%dma_wait3A_458 : memref<8x128xf32, #tpu.memory_space<hbm>>)
      } else {
      }
      %scan3A_172 = arith.constant 0 : i32
      %scan3A_173 = arith.constant 16 : i32
      %scan3A_174 = arith.addi %scan3A_172, %scan3A_173 : i32
      %scan3A_175 = arith.constant 1 : i32
      scf.for %scan3A_394 = %scan3A_172 to %scan3A_174 step %scan3A_175  : i32 {
        %mul3A_395 = arith.constant 8 : i32
        %mul3A_396 = arith.muli %scan3A_394, %mul3A_395 : i32
        %add3A_397 = arith.constant 0 : i32
        %add3A_398 = arith.addi %mul3A_396, %add3A_397 : i32
        %broadcast_in_dim3A = arith.constant 0 : i32
        %broadcast_in_dim3A_399 = vector.broadcast %broadcast_in_dim3A : i32 to vector<16xi32>
        %add3A_400 = vector.broadcast %add3A_398 : i32 to vector<16xi32>
        %add3A_401 = arith.addi %broadcast_in_dim3A_399, %add3A_400 : vector<16xi32>
        %get3A = arith.index_cast %add3A_398 : i32 to index
        %get3A_402 = arith.constant 0 : index
        %get3A_403 = tpu.vector_load %arg6[%get3A, %get3A_402] {strides = array<i32>} : memref<128x32xf32, #tpu.memory_space<vmem>>, vector<16xf32>,
        %add3A_404 = arith.constant 0 : i32
        %add3A_405 = vector.broadcast %add3A_404 : i32 to vector<16xi32>
        %add3A_406 = arith.addi %iota3A, %add3A_405 : vector<16xi32>
        tpu.vector_store_idx %arg8[%add3A_406, %add3A_401], %get3A_403 : memref<32x133xf32, #tpu.memory_space<vmem>>[vector<16xi32>, vector<16xi32>], vector<16xf32>,
        %get3A_407 = arith.index_cast %add3A_398 : i32 to index
        %get3A_408 = arith.constant 16 : index
        %get3A_409 = tpu.vector_load %arg6[%get3A_407, %get3A_408] {strides = array<i32>} : memref<128x32xf32, #tpu.memory_space<vmem>>, vector<16xf32>,
        %add3A_410 = arith.constant 16 : i32
        %add3A_411 = vector.broadcast %add3A_410 : i32 to vector<16xi32>
        %add3A_412 = arith.addi %iota3A, %add3A_411 : vector<16xi32>
        tpu.vector_store_idx %arg8[%add3A_412, %add3A_401], %get3A_409 : memref<32x133xf32, #tpu.memory_space<vmem>>[vector<16xi32>, vector<16xi32>], vector<16xf32>,
        %mul3A_413 = arith.constant 8 : i32
        %mul3A_414 = arith.muli %scan3A_394, %mul3A_413 : i32
        %add3A_415 = arith.constant 1 : i32
        %add3A_416 = arith.addi %mul3A_414, %add3A_415 : i32
        %broadcast_in_dim3A_417 = arith.constant 0 : i32
        %broadcast_in_dim3A_418 = vector.broadcast %broadcast_in_dim3A_417 : i32 to vector<16xi32>
        %add3A_419 = vector.broadcast %add3A_416 : i32 to vector<16xi32>
        %add3A_420 = arith.addi %broadcast_in_dim3A_418, %add3A_419 : vector<16xi32>
        %get3A_421 = arith.index_cast %add3A_416 : i32 to index
        %get3A_422 = arith.constant 0 : index
        %get3A_423 = tpu.vector_load %arg6[%get3A_421, %get3A_422] {strides = array<i32>} : memref<128x32xf32, #tpu.memory_space<vmem>>, vector<16xf32>,
        %add3A_424 = arith.constant 0 : i32
        %add3A_425 = vector.broadcast %add3A_424 : i32 to vector<16xi32>
        %add3A_426 = arith.addi %iota3A, %add3A_425 : vector<16xi32>
        tpu.vector_store_idx %arg8[%add3A_426, %add3A_420], %get3A_423 : memref<32x133xf32, #tpu.memory_space<vmem>>[vector<16xi32>, vector<16xi32>], vector<16xf32>,
        %get3A_427 = arith.index_cast %add3A_416 : i32 to index
        %get3A_428 = arith.constant 16 : index
        %get3A_429 = tpu.vector_load %arg6[%get3A_427, %get3A_428] {strides = array<i32>} : memref<128x32xf32, #tpu.memory_space<vmem>>, vector<16xf32>,
        %add3A_430 = arith.constant 16 : i32
        %add3A_431 = vector.broadcast %add3A_430 : i32 to vector<16xi32>
        %add3A_432 = arith.addi %iota3A, %add3A_431 : vector<16xi32>
        tpu.vector_store_idx %arg8[%add3A_432, %add3A_420], %get3A_429 : memref<32x133xf32, #tpu.memory_space<vmem>>[vector<16xi32>, vector<16xi32>], vector<16xf32>,
        %mul3A_433 = arith.constant 8 : i32
        %mul3A_434 = arith.muli %scan3A_394, %mul3A_433 : i32
        %add3A_435 = arith.constant 2 : i32
        %add3A_436 = arith.addi %mul3A_434, %add3A_435 : i32
        %broadcast_in_dim3A_437 = arith.constant 0 : i32
        %broadcast_in_dim3A_438 = vector.broadcast %broadcast_in_dim3A_437 : i32 to vector<16xi32>
        %add3A_439 = vector.broadcast %add3A_436 : i32 to vector<16xi32>
        %add3A_440 = arith.addi %broadcast_in_dim3A_438, %add3A_439 : vector<16xi32>
        %get3A_441 = arith.index_cast %add3A_436 : i32 to index
        %get3A_442 = arith.constant 0 : index
        %get3A_443 = tpu.vector_load %arg6[%get3A_441, %get3A_442] {strides = array<i32>} : memref<128x32xf32, #tpu.memory_space<vmem>>, vector<16xf32>,
        %add3A_444 = arith.constant 0 : i32
        %add3A_445 = vector.broadcast %add3A_444 : i32 to vector<16xi32>
        %add3A_446 = arith.addi %iota3A, %add3A_445 : vector<16xi32>
        tpu.vector_store_idx %arg8[%add3A_446, %add3A_440], %get3A_443 : memref<32x133xf32, #tpu.memory_space<vmem>>[vector<16xi32>, vector<16xi32>], vector<16xf32>,
        %get3A_447 = arith.index_cast %add3A_436 : i32 to index
        %get3A_448 = arith.constant 16 : index
        %get3A_449 = tpu.vector_load %arg6[%get3A_447, %get3A_448] {strides = array<i32>} : memref<128x32xf32, #tpu.memory_space<vmem>>, vector<16xf32>,
        %add3A_450 = arith.constant 16 : i32
        %add3A_451 = vector.broadcast %add3A_450 : i32 to vector<16xi32>
        %add3A_452 = arith.addi %iota3A, %add3A_451 : vector<16xi32>
        tpu.vector_store_idx %arg8[%add3A_452, %add3A_440], %get3A_449 : memref<32x133xf32, #tpu.memory_space<vmem>>[vector<16xi32>, vector<16xi32>], vector<16xf32>,
        %mul3A_453 = arith.constant 8 : i32
        %mul3A_454 = arith.muli %scan3A_394, %mul3A_453 : i32
        %add3A_455 = arith.constant 3 : i32
        %add3A_456 = arith.addi %mul3A_454, %add3A_455 : i32
        %broadcast_in_dim3A_457 = arith.constant 0 : i32
        %broadcast_in_dim3A_458 = vector.broadcast %broadcast_in_dim3A_457 : i32 to vector<16xi32>
        %add3A_459 = vector.broadcast %add3A_456 : i32 to vector<16xi32>
        %add3A_460 = arith.addi %broadcast_in_dim3A_458, %add3A_459 : vector<16xi32>
        %get3A_461 = arith.index_cast %add3A_456 : i32 to index
        %get3A_462 = arith.constant 0 : index
        %get3A_463 = tpu.vector_load %arg6[%get3A_461, %get3A_462] {strides = array<i32>} : memref<128x32xf32, #tpu.memory_space<vmem>>, vector<16xf32>,
        %add3A_464 = arith.constant 0 : i32
        %add3A_465 = vector.broadcast %add3A_464 : i32 to vector<16xi32>
        %add3A_466 = arith.addi %iota3A, %add3A_465 : vector<16xi32>
        tpu.vector_store_idx %arg8[%add3A_466, %add3A_460], %get3A_463 : memref<32x133xf32, #tpu.memory_space<vmem>>[vector<16xi32>, vector<16xi32>], vector<16xf32>,
        %get3A_467 = arith.index_cast %add3A_456 : i32 to index
        %get3A_468 = arith.constant 16 : index
        %get3A_469 = tpu.vector_load %arg6[%get3A_467, %get3A_468] {strides = array<i32>} : memref<128x32xf32, #tpu.memory_space<vmem>>, vector<16xf32>,
        %add3A_470 = arith.constant 16 : i32
        %add3A_471 = vector.broadcast %add3A_470 : i32 to vector<16xi32>
        %add3A_472 = arith.addi %iota3A, %add3A_471 : vector<16xi32>
        tpu.vector_store_idx %arg8[%add3A_472, %add3A_460], %get3A_469 : memref<32x133xf32, #tpu.memory_space<vmem>>[vector<16xi32>, vector<16xi32>], vector<16xf32>,
        %mul3A_473 = arith.constant 8 : i32
        %mul3A_474 = arith.muli %scan3A_394, %mul3A_473 : i32
        %add3A_475 = arith.constant 4 : i32
        %add3A_476 = arith.addi %mul3A_474, %add3A_475 : i32
        %broadcast_in_dim3A_477 = arith.constant 0 : i32
        %broadcast_in_dim3A_478 = vector.broadcast %broadcast_in_dim3A_477 : i32 to vector<16xi32>
        %add3A_479 = vector.broadcast %add3A_476 : i32 to vector<16xi32>
        %add3A_480 = arith.addi %broadcast_in_dim3A_478, %add3A_479 : vector<16xi32>
        %get3A_481 = arith.index_cast %add3A_476 : i32 to index
        %get3A_482 = arith.constant 0 : index
        %get3A_483 = tpu.vector_load %arg6[%get3A_481, %get3A_482] {strides = array<i32>} : memref<128x32xf32, #tpu.memory_space<vmem>>, vector<16xf32>,
        %add3A_484 = arith.constant 0 : i32
        %add3A_485 = vector.broadcast %add3A_484 : i32 to vector<16xi32>
        %add3A_486 = arith.addi %iota3A, %add3A_485 : vector<16xi32>
        tpu.vector_store_idx %arg8[%add3A_486, %add3A_480], %get3A_483 : memref<32x133xf32, #tpu.memory_space<vmem>>[vector<16xi32>, vector<16xi32>], vector<16xf32>,
        %get3A_487 = arith.index_cast %add3A_476 : i32 to index
        %get3A_488 = arith.constant 16 : index
        %get3A_489 = tpu.vector_load %arg6[%get3A_487, %get3A_488] {strides = array<i32>} : memref<128x32xf32, #tpu.memory_space<vmem>>, vector<16xf32>,
        %add3A_490 = arith.constant 16 : i32
        %add3A_491 = vector.broadcast %add3A_490 : i32 to vector<16xi32>
        %add3A_492 = arith.addi %iota3A, %add3A_491 : vector<16xi32>
        tpu.vector_store_idx %arg8[%add3A_492, %add3A_480], %get3A_489 : memref<32x133xf32, #tpu.memory_space<vmem>>[vector<16xi32>, vector<16xi32>], vector<16xf32>,
        %mul3A_493 = arith.constant 8 : i32
        %mul3A_494 = arith.muli %scan3A_394, %mul3A_493 : i32
        %add3A_495 = arith.constant 5 : i32
        %add3A_496 = arith.addi %mul3A_494, %add3A_495 : i32
        %broadcast_in_dim3A_497 = arith.constant 0 : i32
        %broadcast_in_dim3A_498 = vector.broadcast %broadcast_in_dim3A_497 : i32 to vector<16xi32>
        %add3A_499 = vector.broadcast %add3A_496 : i32 to vector<16xi32>
        %add3A_500 = arith.addi %broadcast_in_dim3A_498, %add3A_499 : vector<16xi32>
        %get3A_501 = arith.index_cast %add3A_496 : i32 to index
        %get3A_502 = arith.constant 0 : index
        %get3A_503 = tpu.vector_load %arg6[%get3A_501, %get3A_502] {strides = array<i32>} : memref<128x32xf32, #tpu.memory_space<vmem>>, vector<16xf32>,
        %add3A_504 = arith.constant 0 : i32
        %add3A_505 = vector.broadcast %add3A_504 : i32 to vector<16xi32>
        %add3A_506 = arith.addi %iota3A, %add3A_505 : vector<16xi32>
        tpu.vector_store_idx %arg8[%add3A_506, %add3A_500], %get3A_503 : memref<32x133xf32, #tpu.memory_space<vmem>>[vector<16xi32>, vector<16xi32>], vector<16xf32>,
        %get3A_507 = arith.index_cast %add3A_496 : i32 to index
        %get3A_508 = arith.constant 16 : index
        %get3A_509 = tpu.vector_load %arg6[%get3A_507, %get3A_508] {strides = array<i32>} : memref<128x32xf32, #tpu.memory_space<vmem>>, vector<16xf32>,
        %add3A_510 = arith.constant 16 : i32
        %add3A_511 = vector.broadcast %add3A_510 : i32 to vector<16xi32>
        %add3A_512 = arith.addi %iota3A, %add3A_511 : vector<16xi32>
        tpu.vector_store_idx %arg8[%add3A_512, %add3A_500], %get3A_509 : memref<32x133xf32, #tpu.memory_space<vmem>>[vector<16xi32>, vector<16xi32>], vector<16xf32>,
        %mul3A_513 = arith.constant 8 : i32
        %mul3A_514 = arith.muli %scan3A_394, %mul3A_513 : i32
        %add3A_515 = arith.constant 6 : i32
        %add3A_516 = arith.addi %mul3A_514, %add3A_515 : i32
        %broadcast_in_dim3A_517 = arith.constant 0 : i32
        %broadcast_in_dim3A_518 = vector.broadcast %broadcast_in_dim3A_517 : i32 to vector<16xi32>
        %add3A_519 = vector.broadcast %add3A_516 : i32 to vector<16xi32>
        %add3A_520 = arith.addi %broadcast_in_dim3A_518, %add3A_519 : vector<16xi32>
        %get3A_521 = arith.index_cast %add3A_516 : i32 to index
        %get3A_522 = arith.constant 0 : index
        %get3A_523 = tpu.vector_load %arg6[%get3A_521, %get3A_522] {strides = array<i32>} : memref<128x32xf32, #tpu.memory_space<vmem>>, vector<16xf32>,
        %add3A_524 = arith.constant 0 : i32
        %add3A_525 = vector.broadcast %add3A_524 : i32 to vector<16xi32>
        %add3A_526 = arith.addi %iota3A, %add3A_525 : vector<16xi32>
        tpu.vector_store_idx %arg8[%add3A_526, %add3A_520], %get3A_523 : memref<32x133xf32, #tpu.memory_space<vmem>>[vector<16xi32>, vector<16xi32>], vector<16xf32>,
        %get3A_527 = arith.index_cast %add3A_516 : i32 to index
        %get3A_528 = arith.constant 16 : index
        %get3A_529 = tpu.vector_load %arg6[%get3A_527, %get3A_528] {strides = array<i32>} : memref<128x32xf32, #tpu.memory_space<vmem>>, vector<16xf32>,
        %add3A_530 = arith.constant 16 : i32
        %add3A_531 = vector.broadcast %add3A_530 : i32 to vector<16xi32>
        %add3A_532 = arith.addi %iota3A, %add3A_531 : vector<16xi32>
        tpu.vector_store_idx %arg8[%add3A_532, %add3A_520], %get3A_529 : memref<32x133xf32, #tpu.memory_space<vmem>>[vector<16xi32>, vector<16xi32>], vector<16xf32>,
        %mul3A_533 = arith.constant 8 : i32
        %mul3A_534 = arith.muli %scan3A_394, %mul3A_533 : i32
        %add3A_535 = arith.constant 7 : i32
        %add3A_536 = arith.addi %mul3A_534, %add3A_535 : i32
        %broadcast_in_dim3A_537 = arith.constant 0 : i32
        %broadcast_in_dim3A_538 = vector.broadcast %broadcast_in_dim3A_537 : i32 to vector<16xi32>
        %add3A_539 = vector.broadcast %add3A_536 : i32 to vector<16xi32>
        %add3A_540 = arith.addi %broadcast_in_dim3A_538, %add3A_539 : vector<16xi32>
        %get3A_541 = arith.index_cast %add3A_536 : i32 to index
        %get3A_542 = arith.constant 0 : index
        %get3A_543 = tpu.vector_load %arg6[%get3A_541, %get3A_542] {strides = array<i32>} : memref<128x32xf32, #tpu.memory_space<vmem>>, vector<16xf32>,
        %add3A_544 = arith.constant 0 : i32
        %add3A_545 = vector.broadcast %add3A_544 : i32 to vector<16xi32>
        %add3A_546 = arith.addi %iota3A, %add3A_545 : vector<16xi32>
        tpu.vector_store_idx %arg8[%add3A_546, %add3A_540], %get3A_543 : memref<32x133xf32, #tpu.memory_space<vmem>>[vector<16xi32>, vector<16xi32>], vector<16xf32>,
        %get3A_547 = arith.index_cast %add3A_536 : i32 to index
        %get3A_548 = arith.constant 16 : index
        %get3A_549 = tpu.vector_load %arg6[%get3A_547, %get3A_548] {strides = array<i32>} : memref<128x32xf32, #tpu.memory_space<vmem>>, vector<16xf32>,
        %add3A_550 = arith.constant 16 : i32
        %add3A_551 = vector.broadcast %add3A_550 : i32 to vector<16xi32>
        %add3A_552 = arith.addi %iota3A, %add3A_551 : vector<16xi32>
        tpu.vector_store_idx %arg8[%add3A_552, %add3A_540], %get3A_549 : memref<32x133xf32, #tpu.memory_space<vmem>>[vector<16xi32>, vector<16xi32>], vector<16xf32>,
      }
      %scan3A_176 = arith.constant 16 : i32
      %barrier3A = arith.constant 0 : index
      tpu.barrier barrier_id(%barrier3A)
      %mul3A_177 = arith.constant 200 : i32
      %mul3A_178 = arith.muli %add3A, %mul3A_177 : i32
      %add3A_179 = arith.addi %mul3A_178, %mul3A_154 : i32
      %jit3A = arith.constant 32 : i32
      %div3A = arith.divsi %add3A_179, %jit3A : i32
      %sign3A = arith.constant 0 : i32
      %sign3A_180 = arith.cmpi sgt, %add3A_179, %sign3A : i32
      %sign3A_181 = arith.extui %sign3A_180 : i1 to i32
      %sign3A_182 = arith.constant 0 : i32
      %sign3A_183 = arith.cmpi slt, %add3A_179, %sign3A_182 : i32
      %sign3A_184 = arith.extui %sign3A_183 : i1 to i32
      %sign3A_185 = arith.subi %sign3A_181, %sign3A_184 : i32
      %sign3A_186 = arith.constant 0 : i32
      %sign3A_187 = arith.cmpi sgt, %jit3A, %sign3A_186 : i32
      %sign3A_188 = arith.extui %sign3A_187 : i1 to i32
      %sign3A_189 = arith.constant 0 : i32
      %sign3A_190 = arith.cmpi slt, %jit3A, %sign3A_189 : i32
      %sign3A_191 = arith.extui %sign3A_190 : i1 to i32
      %sign3A_192 = arith.subi %sign3A_188, %sign3A_191 : i32
      %ne3A = arith.cmpi ne, %sign3A_185, %sign3A_192 : i32
      %rem3A = arith.remsi %add3A_179, %jit3A : i32
      %ne3A_193 = arith.constant 0 : i32
      %ne3A_194 = arith.cmpi ne, %rem3A, %ne3A_193 : i32
      %and3A = arith.andi %ne3A, %ne3A_194 : i1
      %sub3A = arith.constant 1 : i32
      %sub3A_195 = arith.subi %div3A, %sub3A : i32
      %select_n3A = arith.select %and3A, %sub3A_195, %div3A : i32
      %jit3A_196 = arith.constant 32 : i32
      %eq3A = arith.constant 0 : i32
      %eq3A_197 = arith.cmpi eq, %jit3A_196, %eq3A : i32
      %jit3A_198 = arith.constant 1 : i32
      %select_n3A_199 = arith.select %eq3A_197, %jit3A_198, %jit3A_196 : i32
      %rem3A_200 = arith.remsi %add3A_179, %select_n3A_199 : i32
      %ne3A_201 = arith.constant 0 : i32
      %ne3A_202 = arith.cmpi ne, %rem3A_200, %ne3A_201 : i32
      %lt3A = arith.constant 0 : i32
      %lt3A_203 = arith.cmpi slt, %rem3A_200, %lt3A : i32
      %lt3A_204 = arith.constant 0 : i32
      %lt3A_205 = arith.cmpi slt, %select_n3A_199, %lt3A_204 : i32
      %ne3A_206 = arith.xori %lt3A_203, %lt3A_205 : i1
      %and3A_207 = arith.andi %ne3A_206, %ne3A_202 : i1
      %add3A_208 = arith.addi %rem3A_200, %select_n3A_199 : i32
      %select_n3A_209 = arith.select %and3A_207, %add3A_208, %rem3A_200 : i32
      %dma_start3A_210 = arith.constant 0 : i32
      %dma_start3A_211 = arith.constant 0 : i32
      %dma_start3A_212 = arith.constant 0 : i32
      %dma_start3A_213 = tpu.memref_slice %arg8[%dma_start3A_211, %dma_start3A_212] : memref<32x133xf32, #tpu.memory_space<vmem>> -> memref<8x128xf32, #tpu.memory_space<vmem>>
      %dma_start3A_214 = arith.constant 0 : i32
      %dma_start3A_215 = arith.constant 0 : i32
      %dma_start3A_216 = tpu.memref_slice %arg4[%select_n3A, %dma_start3A_210, %select_n3A_209, %dma_start3A_214, %dma_start3A_215] : memref<200x4x32x8x128xf32, #tpu.memory_space<hbm>> -> memref<1x1x1x8x128xf32, #tpu.memory_space<hbm>>
      %dma_start3A_217 = tpu.memref_squeeze %dma_start3A_216 : memref<1x1x1x8x128xf32, #tpu.memory_space<hbm>> -> memref<8x128xf32, #tpu.memory_space<hbm>>
      %dma_start3A_218 = arith.constant 0 : i32
      %dma_start3A_219 = arith.constant 0 : i32
      %dma_start3A_220 = tpu.memref_slice %arg4[%select_n3A, %dma_start3A_210, %select_n3A_209, %dma_start3A_218, %dma_start3A_219] : memref<200x4x32x8x128xf32, #tpu.memory_space<hbm>> -> memref<1x1x1x8x128xf32, #tpu.memory_space<hbm>>
      %dma_start3A_221 = tpu.memref_squeeze %dma_start3A_220 : memref<1x1x1x8x128xf32, #tpu.memory_space<hbm>> -> memref<8x128xf32, #tpu.memory_space<hbm>>
      %dma_start3A_222 = arith.constant 0 : i32
      %dma_start3A_223 = arith.constant 0 : i32
      %dma_start3A_224 = tpu.memref_slice %arg8[%dma_start3A_222, %dma_start3A_223] : memref<32x133xf32, #tpu.memory_space<vmem>> -> memref<8x128xf32, #tpu.memory_space<vmem>>
      tpu.enqueue_dma source(%dma_start3A_224 : memref<8x128xf32, #tpu.memory_space<vmem>>) target(%dma_start3A_221 : memref<8x128xf32, #tpu.memory_space<hbm>>) target_semaphore(%arg13 : memref<!tpu.dma_semaphore, #tpu.memory_space<semaphore_mem>>)
      %dma_start3A_225 = arith.constant 1 : i32
      %dma_start3A_226 = arith.constant 8 : i32
      %dma_start3A_227 = arith.constant 0 : i32
      %dma_start3A_228 = tpu.memref_slice %arg8[%dma_start3A_226, %dma_start3A_227] : memref<32x133xf32, #tpu.memory_space<vmem>> -> memref<8x128xf32, #tpu.memory_space<vmem>>
      %dma_start3A_229 = arith.constant 0 : i32
      %dma_start3A_230 = arith.constant 0 : i32
      %dma_start3A_231 = tpu.memref_slice %arg4[%select_n3A, %dma_start3A_225, %select_n3A_209, %dma_start3A_229, %dma_start3A_230] : memref<200x4x32x8x128xf32, #tpu.memory_space<hbm>> -> memref<1x1x1x8x128xf32, #tpu.memory_space<hbm>>
      %dma_start3A_232 = tpu.memref_squeeze %dma_start3A_231 : memref<1x1x1x8x128xf32, #tpu.memory_space<hbm>> -> memref<8x128xf32, #tpu.memory_space<hbm>>
      %dma_start3A_233 = arith.constant 0 : i32
      %dma_start3A_234 = arith.constant 0 : i32
      %dma_start3A_235 = tpu.memref_slice %arg4[%select_n3A, %dma_start3A_225, %select_n3A_209, %dma_start3A_233, %dma_start3A_234] : memref<200x4x32x8x128xf32, #tpu.memory_space<hbm>> -> memref<1x1x1x8x128xf32, #tpu.memory_space<hbm>>
      %dma_start3A_236 = tpu.memref_squeeze %dma_start3A_235 : memref<1x1x1x8x128xf32, #tpu.memory_space<hbm>> -> memref<8x128xf32, #tpu.memory_space<hbm>>
      %dma_start3A_237 = arith.constant 8 : i32
      %dma_start3A_238 = arith.constant 0 : i32
      %dma_start3A_239 = tpu.memref_slice %arg8[%dma_start3A_237, %dma_start3A_238] : memref<32x133xf32, #tpu.memory_space<vmem>> -> memref<8x128xf32, #tpu.memory_space<vmem>>
      tpu.enqueue_dma source(%dma_start3A_239 : memref<8x128xf32, #tpu.memory_space<vmem>>) target(%dma_start3A_236 : memref<8x128xf32, #tpu.memory_space<hbm>>) target_semaphore(%arg13 : memref<!tpu.dma_semaphore, #tpu.memory_space<semaphore_mem>>)
      %dma_start3A_240 = arith.constant 2 : i32
      %dma_start3A_241 = arith.constant 16 : i32
      %dma_start3A_242 = arith.constant 0 : i32
      %dma_start3A_243 = tpu.memref_slice %arg8[%dma_start3A_241, %dma_start3A_242] : memref<32x133xf32, #tpu.memory_space<vmem>> -> memref<8x128xf32, #tpu.memory_space<vmem>>
      %dma_start3A_244 = arith.constant 0 : i32
      %dma_start3A_245 = arith.constant 0 : i32
      %dma_start3A_246 = tpu.memref_slice %arg4[%select_n3A, %dma_start3A_240, %select_n3A_209, %dma_start3A_244, %dma_start3A_245] : memref<200x4x32x8x128xf32, #tpu.memory_space<hbm>> -> memref<1x1x1x8x128xf32, #tpu.memory_space<hbm>>
      %dma_start3A_247 = tpu.memref_squeeze %dma_start3A_246 : memref<1x1x1x8x128xf32, #tpu.memory_space<hbm>> -> memref<8x128xf32, #tpu.memory_space<hbm>>
      %dma_start3A_248 = arith.constant 0 : i32
      %dma_start3A_249 = arith.constant 0 : i32
      %dma_start3A_250 = tpu.memref_slice %arg4[%select_n3A, %dma_start3A_240, %select_n3A_209, %dma_start3A_248, %dma_start3A_249] : memref<200x4x32x8x128xf32, #tpu.memory_space<hbm>> -> memref<1x1x1x8x128xf32, #tpu.memory_space<hbm>>
      %dma_start3A_251 = tpu.memref_squeeze %dma_start3A_250 : memref<1x1x1x8x128xf32, #tpu.memory_space<hbm>> -> memref<8x128xf32, #tpu.memory_space<hbm>>
      %dma_start3A_252 = arith.constant 16 : i32
      %dma_start3A_253 = arith.constant 0 : i32
      %dma_start3A_254 = tpu.memref_slice %arg8[%dma_start3A_252, %dma_start3A_253] : memref<32x133xf32, #tpu.memory_space<vmem>> -> memref<8x128xf32, #tpu.memory_space<vmem>>
      tpu.enqueue_dma source(%dma_start3A_254 : memref<8x128xf32, #tpu.memory_space<vmem>>) target(%dma_start3A_251 : memref<8x128xf32, #tpu.memory_space<hbm>>) target_semaphore(%arg13 : memref<!tpu.dma_semaphore, #tpu.memory_space<semaphore_mem>>)
      %dma_start3A_255 = arith.constant 3 : i32
      %dma_start3A_256 = arith.constant 24 : i32
      %dma_start3A_257 = arith.constant 0 : i32
      %dma_start3A_258 = tpu.memref_slice %arg8[%dma_start3A_256, %dma_start3A_257] : memref<32x133xf32, #tpu.memory_space<vmem>> -> memref<8x128xf32, #tpu.memory_space<vmem>>
      %dma_start3A_259 = arith.constant 0 : i32
      %dma_start3A_260 = arith.constant 0 : i32
      %dma_start3A_261 = tpu.memref_slice %arg4[%select_n3A, %dma_start3A_255, %select_n3A_209, %dma_start3A_259, %dma_start3A_260] : memref<200x4x32x8x128xf32, #tpu.memory_space<hbm>> -> memref<1x1x1x8x128xf32, #tpu.memory_space<hbm>>
      %dma_start3A_262 = tpu.memref_squeeze %dma_start3A_261 : memref<1x1x1x8x128xf32, #tpu.memory_space<hbm>> -> memref<8x128xf32, #tpu.memory_space<hbm>>
      %dma_start3A_263 = arith.constant 0 : i32
      %dma_start3A_264 = arith.constant 0 : i32
      %dma_start3A_265 = tpu.memref_slice %arg4[%select_n3A, %dma_start3A_255, %select_n3A_209, %dma_start3A_263, %dma_start3A_264] : memref<200x4x32x8x128xf32, #tpu.memory_space<hbm>> -> memref<1x1x1x8x128xf32, #tpu.memory_space<hbm>>
      %dma_start3A_266 = tpu.memref_squeeze %dma_start3A_265 : memref<1x1x1x8x128xf32, #tpu.memory_space<hbm>> -> memref<8x128xf32, #tpu.memory_space<hbm>>
      %dma_start3A_267 = arith.constant 24 : i32
      %dma_start3A_268 = arith.constant 0 : i32
      %dma_start3A_269 = tpu.memref_slice %arg8[%dma_start3A_267, %dma_start3A_268] : memref<32x133xf32, #tpu.memory_space<vmem>> -> memref<8x128xf32, #tpu.memory_space<vmem>>
      tpu.enqueue_dma source(%dma_start3A_269 : memref<8x128xf32, #tpu.memory_space<vmem>>) target(%dma_start3A_266 : memref<8x128xf32, #tpu.memory_space<hbm>>) target_semaphore(%arg13 : memref<!tpu.dma_semaphore, #tpu.memory_space<semaphore_mem>>)
      %lt3A_270 = arith.constant 99 : i32
      %lt3A_271 = arith.cmpi slt, %scan3A_152, %lt3A_270 : i32
      %convert_element_type3A_272 = arith.extui %lt3A_271 : i1 to i32
      %cond3A_273 = arith.constant 0 : i32
      %cond3A_274 = arith.cmpi ne, %convert_element_type3A_272, %cond3A_273 : i32
      scf.if %cond3A_274 {
        %add3A_394 = arith.constant 1 : i32
        %add3A_395 = arith.addi %add3A_158, %add3A_394 : i32
        %mul3A_396 = arith.constant 128 : i32
        %mul3A_397 = arith.muli %add3A_395, %mul3A_396 : i32
        %dma_start3A_398 = tpu.memref_slice %arg5[%mul3A_397] : memref<25600xi32, #tpu.memory_space<vmem>> -> memref<128xi32, #tpu.memory_space<vmem>>
        %dma_start3A_399 = arith.constant 0 : i32
        %dma_start3A_400 = arith.constant 0 : i32
        %dma_start3A_401 = tpu.memref_slice %arg2[%dma_start3A_399, %dma_start3A_400] : memref<1000000x32xf32, #tpu.memory_space<hbm>> -> memref<1000000x32xf32, #tpu.memory_space<hbm>>
        tpu.enqueue_indirect_dma source(%dma_start3A_401 : memref<1000000x32xf32, #tpu.memory_space<hbm>>) target(%arg6 : memref<128x32xf32, #tpu.memory_space<vmem>>) offsets(%dma_start3A_398 : memref<128xi32, #tpu.memory_space<vmem>>) semaphore(%arg11 : memref<!tpu.dma_semaphore, #tpu.memory_space<semaphore_mem>>)
      } else {
      }
      %dma_wait3A_275 = arith.constant 0 : i32
      %dma_wait3A_276 = tpu.memref_slice %arg5[%dma_wait3A_275] : memref<25600xi32, #tpu.memory_space<vmem>> -> memref<128xi32, #tpu.memory_space<vmem>>
      %dma_wait3A_277 = arith.constant 0 : i32
      %dma_wait3A_278 = arith.constant 0 : i32
      %dma_wait3A_279 = tpu.memref_slice %arg2[%dma_wait3A_277, %dma_wait3A_278] : memref<1000000x32xf32, #tpu.memory_space<hbm>> -> memref<1000000x32xf32, #tpu.memory_space<hbm>>
      tpu.wait_indirect_dma semaphore(%arg12 : memref<!tpu.dma_semaphore, #tpu.memory_space<semaphore_mem>>) src(%dma_wait3A_279 : memref<1000000x32xf32, #tpu.memory_space<hbm>>) dst(%arg6 : memref<128x32xf32, #tpu.memory_space<vmem>>)
      %gt3A_280 = arith.constant 0 : i32
      %gt3A_281 = arith.cmpi sgt, %scan3A_152, %gt3A_280 : i32
      %convert_element_type3A_282 = arith.extui %gt3A_281 : i1 to i32
      %cond3A_283 = arith.constant 0 : i32
      %cond3A_284 = arith.cmpi ne, %convert_element_type3A_282, %cond3A_283 : i32
      scf.if %cond3A_284 {
        %dma_wait3A_394 = arith.constant 0 : i32
        %dma_wait3A_395 = arith.constant 0 : i32
        %dma_wait3A_396 = arith.constant 0 : i32
        %dma_wait3A_397 = arith.constant 0 : i32
        %dma_wait3A_398 = arith.constant 0 : i32
        %dma_wait3A_399 = tpu.memref_slice %arg9[%dma_wait3A_397, %dma_wait3A_398] : memref<32x133xf32, #tpu.memory_space<vmem>> -> memref<8x128xf32, #tpu.memory_space<vmem>>
        %dma_wait3A_400 = arith.constant 0 : i32
        %dma_wait3A_401 = arith.constant 0 : i32
        %dma_wait3A_402 = tpu.memref_slice %arg4[%dma_wait3A_394, %dma_wait3A_395, %dma_wait3A_396, %dma_wait3A_400, %dma_wait3A_401] : memref<200x4x32x8x128xf32, #tpu.memory_space<hbm>> -> memref<1x1x1x8x128xf32, #tpu.memory_space<hbm>>
        %dma_wait3A_403 = tpu.memref_squeeze %dma_wait3A_402 : memref<1x1x1x8x128xf32, #tpu.memory_space<hbm>> -> memref<8x128xf32, #tpu.memory_space<hbm>>
        %dma_wait3A_404 = arith.constant 0 : i32
        %dma_wait3A_405 = arith.constant 0 : i32
        %dma_wait3A_406 = tpu.memref_slice %arg4[%dma_wait3A_394, %dma_wait3A_395, %dma_wait3A_396, %dma_wait3A_404, %dma_wait3A_405] : memref<200x4x32x8x128xf32, #tpu.memory_space<hbm>> -> memref<1x1x1x8x128xf32, #tpu.memory_space<hbm>>
        %dma_wait3A_407 = tpu.memref_squeeze %dma_wait3A_406 : memref<1x1x1x8x128xf32, #tpu.memory_space<hbm>> -> memref<8x128xf32, #tpu.memory_space<hbm>>
        %dma_wait3A_408 = arith.constant 0 : i32
        %dma_wait3A_409 = arith.constant 0 : i32
        %dma_wait3A_410 = tpu.memref_slice %arg9[%dma_wait3A_408, %dma_wait3A_409] : memref<32x133xf32, #tpu.memory_space<vmem>> -> memref<8x128xf32, #tpu.memory_space<vmem>>
        tpu.wait_dma2 semaphore(%arg14 : memref<!tpu.dma_semaphore, #tpu.memory_space<semaphore_mem>>) src(%dma_wait3A_410 : memref<8x128xf32, #tpu.memory_space<vmem>>) dst(%dma_wait3A_407 : memref<8x128xf32, #tpu.memory_space<hbm>>)
        %dma_wait3A_411 = arith.constant 0 : i32
        %dma_wait3A_412 = arith.constant 0 : i32
        %dma_wait3A_413 = arith.constant 0 : i32
        %dma_wait3A_414 = arith.constant 0 : i32
        %dma_wait3A_415 = arith.constant 0 : i32
        %dma_wait3A_416 = tpu.memref_slice %arg9[%dma_wait3A_414, %dma_wait3A_415] : memref<32x133xf32, #tpu.memory_space<vmem>> -> memref<8x128xf32, #tpu.memory_space<vmem>>
        %dma_wait3A_417 = arith.constant 0 : i32
        %dma_wait3A_418 = arith.constant 0 : i32
        %dma_wait3A_419 = tpu.memref_slice %arg4[%dma_wait3A_411, %dma_wait3A_412, %dma_wait3A_413, %dma_wait3A_417, %dma_wait3A_418] : memref<200x4x32x8x128xf32, #tpu.memory_space<hbm>> -> memref<1x1x1x8x128xf32, #tpu.memory_space<hbm>>
        %dma_wait3A_420 = tpu.memref_squeeze %dma_wait3A_419 : memref<1x1x1x8x128xf32, #tpu.memory_space<hbm>> -> memref<8x128xf32, #tpu.memory_space<hbm>>
        %dma_wait3A_421 = arith.constant 0 : i32
        %dma_wait3A_422 = arith.constant 0 : i32
        %dma_wait3A_423 = tpu.memref_slice %arg4[%dma_wait3A_411, %dma_wait3A_412, %dma_wait3A_413, %dma_wait3A_421, %dma_wait3A_422] : memref<200x4x32x8x128xf32, #tpu.memory_space<hbm>> -> memref<1x1x1x8x128xf32, #tpu.memory_space<hbm>>
        %dma_wait3A_424 = tpu.memref_squeeze %dma_wait3A_423 : memref<1x1x1x8x128xf32, #tpu.memory_space<hbm>> -> memref<8x128xf32, #tpu.memory_space<hbm>>
        %dma_wait3A_425 = arith.constant 0 : i32
        %dma_wait3A_426 = arith.constant 0 : i32
        %dma_wait3A_427 = tpu.memref_slice %arg9[%dma_wait3A_425, %dma_wait3A_426] : memref<32x133xf32, #tpu.memory_space<vmem>> -> memref<8x128xf32, #tpu.memory_space<vmem>>
        tpu.wait_dma2 semaphore(%arg14 : memref<!tpu.dma_semaphore, #tpu.memory_space<semaphore_mem>>) src(%dma_wait3A_427 : memref<8x128xf32, #tpu.memory_space<vmem>>) dst(%dma_wait3A_424 : memref<8x128xf32, #tpu.memory_space<hbm>>)
        %dma_wait3A_428 = arith.constant 0 : i32
        %dma_wait3A_429 = arith.constant 0 : i32
        %dma_wait3A_430 = arith.constant 0 : i32
        %dma_wait3A_431 = arith.constant 0 : i32
        %dma_wait3A_432 = arith.constant 0 : i32
        %dma_wait3A_433 = tpu.memref_slice %arg9[%dma_wait3A_431, %dma_wait3A_432] : memref<32x133xf32, #tpu.memory_space<vmem>> -> memref<8x128xf32, #tpu.memory_space<vmem>>
        %dma_wait3A_434 = arith.constant 0 : i32
        %dma_wait3A_435 = arith.constant 0 : i32
        %dma_wait3A_436 = tpu.memref_slice %arg4[%dma_wait3A_428, %dma_wait3A_429, %dma_wait3A_430, %dma_wait3A_434, %dma_wait3A_435] : memref<200x4x32x8x128xf32, #tpu.memory_space<hbm>> -> memref<1x1x1x8x128xf32, #tpu.memory_space<hbm>>
        %dma_wait3A_437 = tpu.memref_squeeze %dma_wait3A_436 : memref<1x1x1x8x128xf32, #tpu.memory_space<hbm>> -> memref<8x128xf32, #tpu.memory_space<hbm>>
        %dma_wait3A_438 = arith.constant 0 : i32
        %dma_wait3A_439 = arith.constant 0 : i32
        %dma_wait3A_440 = tpu.memref_slice %arg4[%dma_wait3A_428, %dma_wait3A_429, %dma_wait3A_430, %dma_wait3A_438, %dma_wait3A_439] : memref<200x4x32x8x128xf32, #tpu.memory_space<hbm>> -> memref<1x1x1x8x128xf32, #tpu.memory_space<hbm>>
        %dma_wait3A_441 = tpu.memref_squeeze %dma_wait3A_440 : memref<1x1x1x8x128xf32, #tpu.memory_space<hbm>> -> memref<8x128xf32, #tpu.memory_space<hbm>>
        %dma_wait3A_442 = arith.constant 0 : i32
        %dma_wait3A_443 = arith.constant 0 : i32
        %dma_wait3A_444 = tpu.memref_slice %arg9[%dma_wait3A_442, %dma_wait3A_443] : memref<32x133xf32, #tpu.memory_space<vmem>> -> memref<8x128xf32, #tpu.memory_space<vmem>>
        tpu.wait_dma2 semaphore(%arg14 : memref<!tpu.dma_semaphore, #tpu.memory_space<semaphore_mem>>) src(%dma_wait3A_444 : memref<8x128xf32, #tpu.memory_space<vmem>>) dst(%dma_wait3A_441 : memref<8x128xf32, #tpu.memory_space<hbm>>)
        %dma_wait3A_445 = arith.constant 0 : i32
        %dma_wait3A_446 = arith.constant 0 : i32
        %dma_wait3A_447 = arith.constant 0 : i32
        %dma_wait3A_448 = arith.constant 0 : i32
        %dma_wait3A_449 = arith.constant 0 : i32
        %dma_wait3A_450 = tpu.memref_slice %arg9[%dma_wait3A_448, %dma_wait3A_449] : memref<32x133xf32, #tpu.memory_space<vmem>> -> memref<8x128xf32, #tpu.memory_space<vmem>>
        %dma_wait3A_451 = arith.constant 0 : i32
        %dma_wait3A_452 = arith.constant 0 : i32
        %dma_wait3A_453 = tpu.memref_slice %arg4[%dma_wait3A_445, %dma_wait3A_446, %dma_wait3A_447, %dma_wait3A_451, %dma_wait3A_452] : memref<200x4x32x8x128xf32, #tpu.memory_space<hbm>> -> memref<1x1x1x8x128xf32, #tpu.memory_space<hbm>>
        %dma_wait3A_454 = tpu.memref_squeeze %dma_wait3A_453 : memref<1x1x1x8x128xf32, #tpu.memory_space<hbm>> -> memref<8x128xf32, #tpu.memory_space<hbm>>
        %dma_wait3A_455 = arith.constant 0 : i32
        %dma_wait3A_456 = arith.constant 0 : i32
        %dma_wait3A_457 = tpu.memref_slice %arg4[%dma_wait3A_445, %dma_wait3A_446, %dma_wait3A_447, %dma_wait3A_455, %dma_wait3A_456] : memref<200x4x32x8x128xf32, #tpu.memory_space<hbm>> -> memref<1x1x1x8x128xf32, #tpu.memory_space<hbm>>
        %dma_wait3A_458 = tpu.memref_squeeze %dma_wait3A_457 : memref<1x1x1x8x128xf32, #tpu.memory_space<hbm>> -> memref<8x128xf32, #tpu.memory_space<hbm>>
        %dma_wait3A_459 = arith.constant 0 : i32
        %dma_wait3A_460 = arith.constant 0 : i32
        %dma_wait3A_461 = tpu.memref_slice %arg9[%dma_wait3A_459, %dma_wait3A_460] : memref<32x133xf32, #tpu.memory_space<vmem>> -> memref<8x128xf32, #tpu.memory_space<vmem>>
        tpu.wait_dma2 semaphore(%arg14 : memref<!tpu.dma_semaphore, #tpu.memory_space<semaphore_mem>>) src(%dma_wait3A_461 : memref<8x128xf32, #tpu.memory_space<vmem>>) dst(%dma_wait3A_458 : memref<8x128xf32, #tpu.memory_space<hbm>>)
      } else {
      }
      %scan3A_285 = arith.constant 0 : i32
      %scan3A_286 = arith.constant 16 : i32
      %scan3A_287 = arith.addi %scan3A_285, %scan3A_286 : i32
      %scan3A_288 = arith.constant 1 : i32
      scf.for %scan3A_394 = %scan3A_285 to %scan3A_287 step %scan3A_288  : i32 {
        %mul3A_395 = arith.constant 8 : i32
        %mul3A_396 = arith.muli %scan3A_394, %mul3A_395 : i32
        %add3A_397 = arith.constant 0 : i32
        %add3A_398 = arith.addi %mul3A_396, %add3A_397 : i32
        %broadcast_in_dim3A = arith.constant 0 : i32
        %broadcast_in_dim3A_399 = vector.broadcast %broadcast_in_dim3A : i32 to vector<16xi32>
        %add3A_400 = vector.broadcast %add3A_398 : i32 to vector<16xi32>
        %add3A_401 = arith.addi %broadcast_in_dim3A_399, %add3A_400 : vector<16xi32>
        %get3A = arith.index_cast %add3A_398 : i32 to index
        %get3A_402 = arith.constant 0 : index
        %get3A_403 = tpu.vector_load %arg7[%get3A, %get3A_402] {strides = array<i32>} : memref<128x32xf32, #tpu.memory_space<vmem>>, vector<16xf32>,
        %add3A_404 = arith.constant 0 : i32
        %add3A_405 = vector.broadcast %add3A_404 : i32 to vector<16xi32>
        %add3A_406 = arith.addi %iota3A, %add3A_405 : vector<16xi32>
        tpu.vector_store_idx %arg9[%add3A_406, %add3A_401], %get3A_403 : memref<32x133xf32, #tpu.memory_space<vmem>>[vector<16xi32>, vector<16xi32>], vector<16xf32>,
        %get3A_407 = arith.index_cast %add3A_398 : i32 to index
        %get3A_408 = arith.constant 16 : index
        %get3A_409 = tpu.vector_load %arg7[%get3A_407, %get3A_408] {strides = array<i32>} : memref<128x32xf32, #tpu.memory_space<vmem>>, vector<16xf32>,
        %add3A_410 = arith.constant 16 : i32
        %add3A_411 = vector.broadcast %add3A_410 : i32 to vector<16xi32>
        %add3A_412 = arith.addi %iota3A, %add3A_411 : vector<16xi32>
        tpu.vector_store_idx %arg9[%add3A_412, %add3A_401], %get3A_409 : memref<32x133xf32, #tpu.memory_space<vmem>>[vector<16xi32>, vector<16xi32>], vector<16xf32>,
        %mul3A_413 = arith.constant 8 : i32
        %mul3A_414 = arith.muli %scan3A_394, %mul3A_413 : i32
        %add3A_415 = arith.constant 1 : i32
        %add3A_416 = arith.addi %mul3A_414, %add3A_415 : i32
        %broadcast_in_dim3A_417 = arith.constant 0 : i32
        %broadcast_in_dim3A_418 = vector.broadcast %broadcast_in_dim3A_417 : i32 to vector<16xi32>
        %add3A_419 = vector.broadcast %add3A_416 : i32 to vector<16xi32>
        %add3A_420 = arith.addi %broadcast_in_dim3A_418, %add3A_419 : vector<16xi32>
        %get3A_421 = arith.index_cast %add3A_416 : i32 to index
        %get3A_422 = arith.constant 0 : index
        %get3A_423 = tpu.vector_load %arg7[%get3A_421, %get3A_422] {strides = array<i32>} : memref<128x32xf32, #tpu.memory_space<vmem>>, vector<16xf32>,
        %add3A_424 = arith.constant 0 : i32
        %add3A_425 = vector.broadcast %add3A_424 : i32 to vector<16xi32>
        %add3A_426 = arith.addi %iota3A, %add3A_425 : vector<16xi32>
        tpu.vector_store_idx %arg9[%add3A_426, %add3A_420], %get3A_423 : memref<32x133xf32, #tpu.memory_space<vmem>>[vector<16xi32>, vector<16xi32>], vector<16xf32>,
        %get3A_427 = arith.index_cast %add3A_416 : i32 to index
        %get3A_428 = arith.constant 16 : index
        %get3A_429 = tpu.vector_load %arg7[%get3A_427, %get3A_428] {strides = array<i32>} : memref<128x32xf32, #tpu.memory_space<vmem>>, vector<16xf32>,
        %add3A_430 = arith.constant 16 : i32
        %add3A_431 = vector.broadcast %add3A_430 : i32 to vector<16xi32>
        %add3A_432 = arith.addi %iota3A, %add3A_431 : vector<16xi32>
        tpu.vector_store_idx %arg9[%add3A_432, %add3A_420], %get3A_429 : memref<32x133xf32, #tpu.memory_space<vmem>>[vector<16xi32>, vector<16xi32>], vector<16xf32>,
        %mul3A_433 = arith.constant 8 : i32
        %mul3A_434 = arith.muli %scan3A_394, %mul3A_433 : i32
        %add3A_435 = arith.constant 2 : i32
        %add3A_436 = arith.addi %mul3A_434, %add3A_435 : i32
        %broadcast_in_dim3A_437 = arith.constant 0 : i32
        %broadcast_in_dim3A_438 = vector.broadcast %broadcast_in_dim3A_437 : i32 to vector<16xi32>
        %add3A_439 = vector.broadcast %add3A_436 : i32 to vector<16xi32>
        %add3A_440 = arith.addi %broadcast_in_dim3A_438, %add3A_439 : vector<16xi32>
        %get3A_441 = arith.index_cast %add3A_436 : i32 to index
        %get3A_442 = arith.constant 0 : index
        %get3A_443 = tpu.vector_load %arg7[%get3A_441, %get3A_442] {strides = array<i32>} : memref<128x32xf32, #tpu.memory_space<vmem>>, vector<16xf32>,
        %add3A_444 = arith.constant 0 : i32
        %add3A_445 = vector.broadcast %add3A_444 : i32 to vector<16xi32>
        %add3A_446 = arith.addi %iota3A, %add3A_445 : vector<16xi32>
        tpu.vector_store_idx %arg9[%add3A_446, %add3A_440], %get3A_443 : memref<32x133xf32, #tpu.memory_space<vmem>>[vector<16xi32>, vector<16xi32>], vector<16xf32>,
        %get3A_447 = arith.index_cast %add3A_436 : i32 to index
        %get3A_448 = arith.constant 16 : index
        %get3A_449 = tpu.vector_load %arg7[%get3A_447, %get3A_448] {strides = array<i32>} : memref<128x32xf32, #tpu.memory_space<vmem>>, vector<16xf32>,
        %add3A_450 = arith.constant 16 : i32
        %add3A_451 = vector.broadcast %add3A_450 : i32 to vector<16xi32>
        %add3A_452 = arith.addi %iota3A, %add3A_451 : vector<16xi32>
        tpu.vector_store_idx %arg9[%add3A_452, %add3A_440], %get3A_449 : memref<32x133xf32, #tpu.memory_space<vmem>>[vector<16xi32>, vector<16xi32>], vector<16xf32>,
        %mul3A_453 = arith.constant 8 : i32
        %mul3A_454 = arith.muli %scan3A_394, %mul3A_453 : i32
        %add3A_455 = arith.constant 3 : i32
        %add3A_456 = arith.addi %mul3A_454, %add3A_455 : i32
        %broadcast_in_dim3A_457 = arith.constant 0 : i32
        %broadcast_in_dim3A_458 = vector.broadcast %broadcast_in_dim3A_457 : i32 to vector<16xi32>
        %add3A_459 = vector.broadcast %add3A_456 : i32 to vector<16xi32>
        %add3A_460 = arith.addi %broadcast_in_dim3A_458, %add3A_459 : vector<16xi32>
        %get3A_461 = arith.index_cast %add3A_456 : i32 to index
        %get3A_462 = arith.constant 0 : index
        %get3A_463 = tpu.vector_load %arg7[%get3A_461, %get3A_462] {strides = array<i32>} : memref<128x32xf32, #tpu.memory_space<vmem>>, vector<16xf32>,
        %add3A_464 = arith.constant 0 : i32
        %add3A_465 = vector.broadcast %add3A_464 : i32 to vector<16xi32>
        %add3A_466 = arith.addi %iota3A, %add3A_465 : vector<16xi32>
        tpu.vector_store_idx %arg9[%add3A_466, %add3A_460], %get3A_463 : memref<32x133xf32, #tpu.memory_space<vmem>>[vector<16xi32>, vector<16xi32>], vector<16xf32>,
        %get3A_467 = arith.index_cast %add3A_456 : i32 to index
        %get3A_468 = arith.constant 16 : index
        %get3A_469 = tpu.vector_load %arg7[%get3A_467, %get3A_468] {strides = array<i32>} : memref<128x32xf32, #tpu.memory_space<vmem>>, vector<16xf32>,
        %add3A_470 = arith.constant 16 : i32
        %add3A_471 = vector.broadcast %add3A_470 : i32 to vector<16xi32>
        %add3A_472 = arith.addi %iota3A, %add3A_471 : vector<16xi32>
        tpu.vector_store_idx %arg9[%add3A_472, %add3A_460], %get3A_469 : memref<32x133xf32, #tpu.memory_space<vmem>>[vector<16xi32>, vector<16xi32>], vector<16xf32>,
        %mul3A_473 = arith.constant 8 : i32
        %mul3A_474 = arith.muli %scan3A_394, %mul3A_473 : i32
        %add3A_475 = arith.constant 4 : i32
        %add3A_476 = arith.addi %mul3A_474, %add3A_475 : i32
        %broadcast_in_dim3A_477 = arith.constant 0 : i32
        %broadcast_in_dim3A_478 = vector.broadcast %broadcast_in_dim3A_477 : i32 to vector<16xi32>
        %add3A_479 = vector.broadcast %add3A_476 : i32 to vector<16xi32>
        %add3A_480 = arith.addi %broadcast_in_dim3A_478, %add3A_479 : vector<16xi32>
        %get3A_481 = arith.index_cast %add3A_476 : i32 to index
        %get3A_482 = arith.constant 0 : index
        %get3A_483 = tpu.vector_load %arg7[%get3A_481, %get3A_482] {strides = array<i32>} : memref<128x32xf32, #tpu.memory_space<vmem>>, vector<16xf32>,
        %add3A_484 = arith.constant 0 : i32
        %add3A_485 = vector.broadcast %add3A_484 : i32 to vector<16xi32>
        %add3A_486 = arith.addi %iota3A, %add3A_485 : vector<16xi32>
        tpu.vector_store_idx %arg9[%add3A_486, %add3A_480], %get3A_483 : memref<32x133xf32, #tpu.memory_space<vmem>>[vector<16xi32>, vector<16xi32>], vector<16xf32>,
        %get3A_487 = arith.index_cast %add3A_476 : i32 to index
        %get3A_488 = arith.constant 16 : index
        %get3A_489 = tpu.vector_load %arg7[%get3A_487, %get3A_488] {strides = array<i32>} : memref<128x32xf32, #tpu.memory_space<vmem>>, vector<16xf32>,
        %add3A_490 = arith.constant 16 : i32
        %add3A_491 = vector.broadcast %add3A_490 : i32 to vector<16xi32>
        %add3A_492 = arith.addi %iota3A, %add3A_491 : vector<16xi32>
        tpu.vector_store_idx %arg9[%add3A_492, %add3A_480], %get3A_489 : memref<32x133xf32, #tpu.memory_space<vmem>>[vector<16xi32>, vector<16xi32>], vector<16xf32>,
        %mul3A_493 = arith.constant 8 : i32
        %mul3A_494 = arith.muli %scan3A_394, %mul3A_493 : i32
        %add3A_495 = arith.constant 5 : i32
        %add3A_496 = arith.addi %mul3A_494, %add3A_495 : i32
        %broadcast_in_dim3A_497 = arith.constant 0 : i32
        %broadcast_in_dim3A_498 = vector.broadcast %broadcast_in_dim3A_497 : i32 to vector<16xi32>
        %add3A_499 = vector.broadcast %add3A_496 : i32 to vector<16xi32>
        %add3A_500 = arith.addi %broadcast_in_dim3A_498, %add3A_499 : vector<16xi32>
        %get3A_501 = arith.index_cast %add3A_496 : i32 to index
        %get3A_502 = arith.constant 0 : index
        %get3A_503 = tpu.vector_load %arg7[%get3A_501, %get3A_502] {strides = array<i32>} : memref<128x32xf32, #tpu.memory_space<vmem>>, vector<16xf32>,
        %add3A_504 = arith.constant 0 : i32
        %add3A_505 = vector.broadcast %add3A_504 : i32 to vector<16xi32>
        %add3A_506 = arith.addi %iota3A, %add3A_505 : vector<16xi32>
        tpu.vector_store_idx %arg9[%add3A_506, %add3A_500], %get3A_503 : memref<32x133xf32, #tpu.memory_space<vmem>>[vector<16xi32>, vector<16xi32>], vector<16xf32>,
        %get3A_507 = arith.index_cast %add3A_496 : i32 to index
        %get3A_508 = arith.constant 16 : index
        %get3A_509 = tpu.vector_load %arg7[%get3A_507, %get3A_508] {strides = array<i32>} : memref<128x32xf32, #tpu.memory_space<vmem>>, vector<16xf32>,
        %add3A_510 = arith.constant 16 : i32
        %add3A_511 = vector.broadcast %add3A_510 : i32 to vector<16xi32>
        %add3A_512 = arith.addi %iota3A, %add3A_511 : vector<16xi32>
        tpu.vector_store_idx %arg9[%add3A_512, %add3A_500], %get3A_509 : memref<32x133xf32, #tpu.memory_space<vmem>>[vector<16xi32>, vector<16xi32>], vector<16xf32>,
        %mul3A_513 = arith.constant 8 : i32
        %mul3A_514 = arith.muli %scan3A_394, %mul3A_513 : i32
        %add3A_515 = arith.constant 6 : i32
        %add3A_516 = arith.addi %mul3A_514, %add3A_515 : i32
        %broadcast_in_dim3A_517 = arith.constant 0 : i32
        %broadcast_in_dim3A_518 = vector.broadcast %broadcast_in_dim3A_517 : i32 to vector<16xi32>
        %add3A_519 = vector.broadcast %add3A_516 : i32 to vector<16xi32>
        %add3A_520 = arith.addi %broadcast_in_dim3A_518, %add3A_519 : vector<16xi32>
        %get3A_521 = arith.index_cast %add3A_516 : i32 to index
        %get3A_522 = arith.constant 0 : index
        %get3A_523 = tpu.vector_load %arg7[%get3A_521, %get3A_522] {strides = array<i32>} : memref<128x32xf32, #tpu.memory_space<vmem>>, vector<16xf32>,
        %add3A_524 = arith.constant 0 : i32
        %add3A_525 = vector.broadcast %add3A_524 : i32 to vector<16xi32>
        %add3A_526 = arith.addi %iota3A, %add3A_525 : vector<16xi32>
        tpu.vector_store_idx %arg9[%add3A_526, %add3A_520], %get3A_523 : memref<32x133xf32, #tpu.memory_space<vmem>>[vector<16xi32>, vector<16xi32>], vector<16xf32>,
        %get3A_527 = arith.index_cast %add3A_516 : i32 to index
        %get3A_528 = arith.constant 16 : index
        %get3A_529 = tpu.vector_load %arg7[%get3A_527, %get3A_528] {strides = array<i32>} : memref<128x32xf32, #tpu.memory_space<vmem>>, vector<16xf32>,
        %add3A_530 = arith.constant 16 : i32
        %add3A_531 = vector.broadcast %add3A_530 : i32 to vector<16xi32>
        %add3A_532 = arith.addi %iota3A, %add3A_531 : vector<16xi32>
        tpu.vector_store_idx %arg9[%add3A_532, %add3A_520], %get3A_529 : memref<32x133xf32, #tpu.memory_space<vmem>>[vector<16xi32>, vector<16xi32>], vector<16xf32>,
        %mul3A_533 = arith.constant 8 : i32
        %mul3A_534 = arith.muli %scan3A_394, %mul3A_533 : i32
        %add3A_535 = arith.constant 7 : i32
        %add3A_536 = arith.addi %mul3A_534, %add3A_535 : i32
        %broadcast_in_dim3A_537 = arith.constant 0 : i32
        %broadcast_in_dim3A_538 = vector.broadcast %broadcast_in_dim3A_537 : i32 to vector<16xi32>
        %add3A_539 = vector.broadcast %add3A_536 : i32 to vector<16xi32>
        %add3A_540 = arith.addi %broadcast_in_dim3A_538, %add3A_539 : vector<16xi32>
        %get3A_541 = arith.index_cast %add3A_536 : i32 to index
        %get3A_542 = arith.constant 0 : index
        %get3A_543 = tpu.vector_load %arg7[%get3A_541, %get3A_542] {strides = array<i32>} : memref<128x32xf32, #tpu.memory_space<vmem>>, vector<16xf32>,
        %add3A_544 = arith.constant 0 : i32
        %add3A_545 = vector.broadcast %add3A_544 : i32 to vector<16xi32>
        %add3A_546 = arith.addi %iota3A, %add3A_545 : vector<16xi32>
        tpu.vector_store_idx %arg9[%add3A_546, %add3A_540], %get3A_543 : memref<32x133xf32, #tpu.memory_space<vmem>>[vector<16xi32>, vector<16xi32>], vector<16xf32>,
        %get3A_547 = arith.index_cast %add3A_536 : i32 to index
        %get3A_548 = arith.constant 16 : index
        %get3A_549 = tpu.vector_load %arg7[%get3A_547, %get3A_548] {strides = array<i32>} : memref<128x32xf32, #tpu.memory_space<vmem>>, vector<16xf32>,
        %add3A_550 = arith.constant 16 : i32
        %add3A_551 = vector.broadcast %add3A_550 : i32 to vector<16xi32>
        %add3A_552 = arith.addi %iota3A, %add3A_551 : vector<16xi32>
        tpu.vector_store_idx %arg9[%add3A_552, %add3A_540], %get3A_549 : memref<32x133xf32, #tpu.memory_space<vmem>>[vector<16xi32>, vector<16xi32>], vector<16xf32>,
      }
      %scan3A_289 = arith.constant 16 : i32
      %barrier3A_290 = arith.constant 0 : index
      tpu.barrier barrier_id(%barrier3A_290)
      %mul3A_291 = arith.constant 200 : i32
      %mul3A_292 = arith.muli %add3A, %mul3A_291 : i32
      %add3A_293 = arith.addi %mul3A_292, %add3A_158 : i32
      %jit3A_294 = arith.constant 32 : i32
      %div3A_295 = arith.divsi %add3A_293, %jit3A_294 : i32
      %sign3A_296 = arith.constant 0 : i32
      %sign3A_297 = arith.cmpi sgt, %add3A_293, %sign3A_296 : i32
      %sign3A_298 = arith.extui %sign3A_297 : i1 to i32
      %sign3A_299 = arith.constant 0 : i32
      %sign3A_300 = arith.cmpi slt, %add3A_293, %sign3A_299 : i32
      %sign3A_301 = arith.extui %sign3A_300 : i1 to i32
      %sign3A_302 = arith.subi %sign3A_298, %sign3A_301 : i32
      %sign3A_303 = arith.constant 0 : i32
      %sign3A_304 = arith.cmpi sgt, %jit3A_294, %sign3A_303 : i32
      %sign3A_305 = arith.extui %sign3A_304 : i1 to i32
      %sign3A_306 = arith.constant 0 : i32
      %sign3A_307 = arith.cmpi slt, %jit3A_294, %sign3A_306 : i32
      %sign3A_308 = arith.extui %sign3A_307 : i1 to i32
      %sign3A_309 = arith.subi %sign3A_305, %sign3A_308 : i32
      %ne3A_310 = arith.cmpi ne, %sign3A_302, %sign3A_309 : i32
      %rem3A_311 = arith.remsi %add3A_293, %jit3A_294 : i32
      %ne3A_312 = arith.constant 0 : i32
      %ne3A_313 = arith.cmpi ne, %rem3A_311, %ne3A_312 : i32
      %and3A_314 = arith.andi %ne3A_310, %ne3A_313 : i1
      %sub3A_315 = arith.constant 1 : i32
      %sub3A_316 = arith.subi %div3A_295, %sub3A_315 : i32
      %select_n3A_317 = arith.select %and3A_314, %sub3A_316, %div3A_295 : i32
      %jit3A_318 = arith.constant 32 : i32
      %eq3A_319 = arith.constant 0 : i32
      %eq3A_320 = arith.cmpi eq, %jit3A_318, %eq3A_319 : i32
      %jit3A_321 = arith.constant 1 : i32
      %select_n3A_322 = arith.select %eq3A_320, %jit3A_321, %jit3A_318 : i32
      %rem3A_323 = arith.remsi %add3A_293, %select_n3A_322 : i32
      %ne3A_324 = arith.constant 0 : i32
      %ne3A_325 = arith.cmpi ne, %rem3A_323, %ne3A_324 : i32
      %lt3A_326 = arith.constant 0 : i32
      %lt3A_327 = arith.cmpi slt, %rem3A_323, %lt3A_326 : i32
      %lt3A_328 = arith.constant 0 : i32
      %lt3A_329 = arith.cmpi slt, %select_n3A_322, %lt3A_328 : i32
      %ne3A_330 = arith.xori %lt3A_327, %lt3A_329 : i1
      %and3A_331 = arith.andi %ne3A_330, %ne3A_325 : i1
      %add3A_332 = arith.addi %rem3A_323, %select_n3A_322 : i32
      %select_n3A_333 = arith.select %and3A_331, %add3A_332, %rem3A_323 : i32
      %dma_start3A_334 = arith.constant 0 : i32
      %dma_start3A_335 = arith.constant 0 : i32
      %dma_start3A_336 = arith.constant 0 : i32
      %dma_start3A_337 = tpu.memref_slice %arg9[%dma_start3A_335, %dma_start3A_336] : memref<32x133xf32, #tpu.memory_space<vmem>> -> memref<8x128xf32, #tpu.memory_space<vmem>>
      %dma_start3A_338 = arith.constant 0 : i32
      %dma_start3A_339 = arith.constant 0 : i32
      %dma_start3A_340 = tpu.memref_slice %arg4[%select_n3A_317, %dma_start3A_334, %select_n3A_333, %dma_start3A_338, %dma_start3A_339] : memref<200x4x32x8x128xf32, #tpu.memory_space<hbm>> -> memref<1x1x1x8x128xf32, #tpu.memory_space<hbm>>
      %dma_start3A_341 = tpu.memref_squeeze %dma_start3A_340 : memref<1x1x1x8x128xf32, #tpu.memory_space<hbm>> -> memref<8x128xf32, #tpu.memory_space<hbm>>
      %dma_start3A_342 = arith.constant 0 : i32
      %dma_start3A_343 = arith.constant 0 : i32
      %dma_start3A_344 = tpu.memref_slice %arg4[%select_n3A_317, %dma_start3A_334, %select_n3A_333, %dma_start3A_342, %dma_start3A_343] : memref<200x4x32x8x128xf32, #tpu.memory_space<hbm>> -> memref<1x1x1x8x128xf32, #tpu.memory_space<hbm>>
      %dma_start3A_345 = tpu.memref_squeeze %dma_start3A_344 : memref<1x1x1x8x128xf32, #tpu.memory_space<hbm>> -> memref<8x128xf32, #tpu.memory_space<hbm>>
      %dma_start3A_346 = arith.constant 0 : i32
      %dma_start3A_347 = arith.constant 0 : i32
      %dma_start3A_348 = tpu.memref_slice %arg9[%dma_start3A_346, %dma_start3A_347] : memref<32x133xf32, #tpu.memory_space<vmem>> -> memref<8x128xf32, #tpu.memory_space<vmem>>
      tpu.enqueue_dma source(%dma_start3A_348 : memref<8x128xf32, #tpu.memory_space<vmem>>) target(%dma_start3A_345 : memref<8x128xf32, #tpu.memory_space<hbm>>) target_semaphore(%arg14 : memref<!tpu.dma_semaphore, #tpu.memory_space<semaphore_mem>>)
      %dma_start3A_349 = arith.constant 1 : i32
      %dma_start3A_350 = arith.constant 8 : i32
      %dma_start3A_351 = arith.constant 0 : i32
      %dma_start3A_352 = tpu.memref_slice %arg9[%dma_start3A_350, %dma_start3A_351] : memref<32x133xf32, #tpu.memory_space<vmem>> -> memref<8x128xf32, #tpu.memory_space<vmem>>
      %dma_start3A_353 = arith.constant 0 : i32
      %dma_start3A_354 = arith.constant 0 : i32
      %dma_start3A_355 = tpu.memref_slice %arg4[%select_n3A_317, %dma_start3A_349, %select_n3A_333, %dma_start3A_353, %dma_start3A_354] : memref<200x4x32x8x128xf32, #tpu.memory_space<hbm>> -> memref<1x1x1x8x128xf32, #tpu.memory_space<hbm>>
      %dma_start3A_356 = tpu.memref_squeeze %dma_start3A_355 : memref<1x1x1x8x128xf32, #tpu.memory_space<hbm>> -> memref<8x128xf32, #tpu.memory_space<hbm>>
      %dma_start3A_357 = arith.constant 0 : i32
      %dma_start3A_358 = arith.constant 0 : i32
      %dma_start3A_359 = tpu.memref_slice %arg4[%select_n3A_317, %dma_start3A_349, %select_n3A_333, %dma_start3A_357, %dma_start3A_358] : memref<200x4x32x8x128xf32, #tpu.memory_space<hbm>> -> memref<1x1x1x8x128xf32, #tpu.memory_space<hbm>>
      %dma_start3A_360 = tpu.memref_squeeze %dma_start3A_359 : memref<1x1x1x8x128xf32, #tpu.memory_space<hbm>> -> memref<8x128xf32, #tpu.memory_space<hbm>>
      %dma_start3A_361 = arith.constant 8 : i32
      %dma_start3A_362 = arith.constant 0 : i32
      %dma_start3A_363 = tpu.memref_slice %arg9[%dma_start3A_361, %dma_start3A_362] : memref<32x133xf32, #tpu.memory_space<vmem>> -> memref<8x128xf32, #tpu.memory_space<vmem>>
      tpu.enqueue_dma source(%dma_start3A_363 : memref<8x128xf32, #tpu.memory_space<vmem>>) target(%dma_start3A_360 : memref<8x128xf32, #tpu.memory_space<hbm>>) target_semaphore(%arg14 : memref<!tpu.dma_semaphore, #tpu.memory_space<semaphore_mem>>)
      %dma_start3A_364 = arith.constant 2 : i32
      %dma_start3A_365 = arith.constant 16 : i32
      %dma_start3A_366 = arith.constant 0 : i32
      %dma_start3A_367 = tpu.memref_slice %arg9[%dma_start3A_365, %dma_start3A_366] : memref<32x133xf32, #tpu.memory_space<vmem>> -> memref<8x128xf32, #tpu.memory_space<vmem>>
      %dma_start3A_368 = arith.constant 0 : i32
      %dma_start3A_369 = arith.constant 0 : i32
      %dma_start3A_370 = tpu.memref_slice %arg4[%select_n3A_317, %dma_start3A_364, %select_n3A_333, %dma_start3A_368, %dma_start3A_369] : memref<200x4x32x8x128xf32, #tpu.memory_space<hbm>> -> memref<1x1x1x8x128xf32, #tpu.memory_space<hbm>>
      %dma_start3A_371 = tpu.memref_squeeze %dma_start3A_370 : memref<1x1x1x8x128xf32, #tpu.memory_space<hbm>> -> memref<8x128xf32, #tpu.memory_space<hbm>>
      %dma_start3A_372 = arith.constant 0 : i32
      %dma_start3A_373 = arith.constant 0 : i32
      %dma_start3A_374 = tpu.memref_slice %arg4[%select_n3A_317, %dma_start3A_364, %select_n3A_333, %dma_start3A_372, %dma_start3A_373] : memref<200x4x32x8x128xf32, #tpu.memory_space<hbm>> -> memref<1x1x1x8x128xf32, #tpu.memory_space<hbm>>
      %dma_start3A_375 = tpu.memref_squeeze %dma_start3A_374 : memref<1x1x1x8x128xf32, #tpu.memory_space<hbm>> -> memref<8x128xf32, #tpu.memory_space<hbm>>
      %dma_start3A_376 = arith.constant 16 : i32
      %dma_start3A_377 = arith.constant 0 : i32
      %dma_start3A_378 = tpu.memref_slice %arg9[%dma_start3A_376, %dma_start3A_377] : memref<32x133xf32, #tpu.memory_space<vmem>> -> memref<8x128xf32, #tpu.memory_space<vmem>>
      tpu.enqueue_dma source(%dma_start3A_378 : memref<8x128xf32, #tpu.memory_space<vmem>>) target(%dma_start3A_375 : memref<8x128xf32, #tpu.memory_space<hbm>>) target_semaphore(%arg14 : memref<!tpu.dma_semaphore, #tpu.memory_space<semaphore_mem>>)
      %dma_start3A_379 = arith.constant 3 : i32
      %dma_start3A_380 = arith.constant 24 : i32
      %dma_start3A_381 = arith.constant 0 : i32
      %dma_start3A_382 = tpu.memref_slice %arg9[%dma_start3A_380, %dma_start3A_381] : memref<32x133xf32, #tpu.memory_space<vmem>> -> memref<8x128xf32, #tpu.memory_space<vmem>>
      %dma_start3A_383 = arith.constant 0 : i32
      %dma_start3A_384 = arith.constant 0 : i32
      %dma_start3A_385 = tpu.memref_slice %arg4[%select_n3A_317, %dma_start3A_379, %select_n3A_333, %dma_start3A_383, %dma_start3A_384] : memref<200x4x32x8x128xf32, #tpu.memory_space<hbm>> -> memref<1x1x1x8x128xf32, #tpu.memory_space<hbm>>
      %dma_start3A_386 = tpu.memref_squeeze %dma_start3A_385 : memref<1x1x1x8x128xf32, #tpu.memory_space<hbm>> -> memref<8x128xf32, #tpu.memory_space<hbm>>
      %dma_start3A_387 = arith.constant 0 : i32
      %dma_start3A_388 = arith.constant 0 : i32
      %dma_start3A_389 = tpu.memref_slice %arg4[%select_n3A_317, %dma_start3A_379, %select_n3A_333, %dma_start3A_387, %dma_start3A_388] : memref<200x4x32x8x128xf32, #tpu.memory_space<hbm>> -> memref<1x1x1x8x128xf32, #tpu.memory_space<hbm>>
      %dma_start3A_390 = tpu.memref_squeeze %dma_start3A_389 : memref<1x1x1x8x128xf32, #tpu.memory_space<hbm>> -> memref<8x128xf32, #tpu.memory_space<hbm>>
      %dma_start3A_391 = arith.constant 24 : i32
      %dma_start3A_392 = arith.constant 0 : i32
      %dma_start3A_393 = tpu.memref_slice %arg9[%dma_start3A_391, %dma_start3A_392] : memref<32x133xf32, #tpu.memory_space<vmem>> -> memref<8x128xf32, #tpu.memory_space<vmem>>
      tpu.enqueue_dma source(%dma_start3A_393 : memref<8x128xf32, #tpu.memory_space<vmem>>) target(%dma_start3A_390 : memref<8x128xf32, #tpu.memory_space<hbm>>) target_semaphore(%arg14 : memref<!tpu.dma_semaphore, #tpu.memory_space<semaphore_mem>>)
    }
    %scan3A_15 = arith.constant 100 : i32
    %dma_wait3A_16 = arith.constant 0 : i32
    %dma_wait3A_17 = arith.constant 0 : i32
    %dma_wait3A_18 = arith.constant 0 : i32
    %dma_wait3A_19 = arith.constant 0 : i32
    %dma_wait3A_20 = arith.constant 0 : i32
    %dma_wait3A_21 = tpu.memref_slice %arg8[%dma_wait3A_19, %dma_wait3A_20] : memref<32x133xf32, #tpu.memory_space<vmem>> -> memref<8x128xf32, #tpu.memory_space<vmem>>
    %dma_wait3A_22 = arith.constant 0 : i32
    %dma_wait3A_23 = arith.constant 0 : i32
    %dma_wait3A_24 = tpu.memref_slice %arg4[%dma_wait3A_16, %dma_wait3A_17, %dma_wait3A_18, %dma_wait3A_22, %dma_wait3A_23] : memref<200x4x32x8x128xf32, #tpu.memory_space<hbm>> -> memref<1x1x1x8x128xf32, #tpu.memory_space<hbm>>
    %dma_wait3A_25 = tpu.memref_squeeze %dma_wait3A_24 : memref<1x1x1x8x128xf32, #tpu.memory_space<hbm>> -> memref<8x128xf32, #tpu.memory_space<hbm>>
    %dma_wait3A_26 = arith.constant 0 : i32
    %dma_wait3A_27 = arith.constant 0 : i32
    %dma_wait3A_28 = tpu.memref_slice %arg4[%dma_wait3A_16, %dma_wait3A_17, %dma_wait3A_18, %dma_wait3A_26, %dma_wait3A_27] : memref<200x4x32x8x128xf32, #tpu.memory_space<hbm>> -> memref<1x1x1x8x128xf32, #tpu.memory_space<hbm>>
    %dma_wait3A_29 = tpu.memref_squeeze %dma_wait3A_28 : memref<1x1x1x8x128xf32, #tpu.memory_space<hbm>> -> memref<8x128xf32, #tpu.memory_space<hbm>>
    %dma_wait3A_30 = arith.constant 0 : i32
    %dma_wait3A_31 = arith.constant 0 : i32
    %dma_wait3A_32 = tpu.memref_slice %arg8[%dma_wait3A_30, %dma_wait3A_31] : memref<32x133xf32, #tpu.memory_space<vmem>> -> memref<8x128xf32, #tpu.memory_space<vmem>>
    tpu.wait_dma2 semaphore(%arg13 : memref<!tpu.dma_semaphore, #tpu.memory_space<semaphore_mem>>) src(%dma_wait3A_32 : memref<8x128xf32, #tpu.memory_space<vmem>>) dst(%dma_wait3A_29 : memref<8x128xf32, #tpu.memory_space<hbm>>)
    %dma_wait3A_33 = arith.constant 0 : i32
    %dma_wait3A_34 = arith.constant 0 : i32
    %dma_wait3A_35 = arith.constant 0 : i32
    %dma_wait3A_36 = arith.constant 0 : i32
    %dma_wait3A_37 = arith.constant 0 : i32
    %dma_wait3A_38 = tpu.memref_slice %arg8[%dma_wait3A_36, %dma_wait3A_37] : memref<32x133xf32, #tpu.memory_space<vmem>> -> memref<8x128xf32, #tpu.memory_space<vmem>>
    %dma_wait3A_39 = arith.constant 0 : i32
    %dma_wait3A_40 = arith.constant 0 : i32
    %dma_wait3A_41 = tpu.memref_slice %arg4[%dma_wait3A_33, %dma_wait3A_34, %dma_wait3A_35, %dma_wait3A_39, %dma_wait3A_40] : memref<200x4x32x8x128xf32, #tpu.memory_space<hbm>> -> memref<1x1x1x8x128xf32, #tpu.memory_space<hbm>>
    %dma_wait3A_42 = tpu.memref_squeeze %dma_wait3A_41 : memref<1x1x1x8x128xf32, #tpu.memory_space<hbm>> -> memref<8x128xf32, #tpu.memory_space<hbm>>
    %dma_wait3A_43 = arith.constant 0 : i32
    %dma_wait3A_44 = arith.constant 0 : i32
    %dma_wait3A_45 = tpu.memref_slice %arg4[%dma_wait3A_33, %dma_wait3A_34, %dma_wait3A_35, %dma_wait3A_43, %dma_wait3A_44] : memref<200x4x32x8x128xf32, #tpu.memory_space<hbm>> -> memref<1x1x1x8x128xf32, #tpu.memory_space<hbm>>
    %dma_wait3A_46 = tpu.memref_squeeze %dma_wait3A_45 : memref<1x1x1x8x128xf32, #tpu.memory_space<hbm>> -> memref<8x128xf32, #tpu.memory_space<hbm>>
    %dma_wait3A_47 = arith.constant 0 : i32
    %dma_wait3A_48 = arith.constant 0 : i32
    %dma_wait3A_49 = tpu.memref_slice %arg8[%dma_wait3A_47, %dma_wait3A_48] : memref<32x133xf32, #tpu.memory_space<vmem>> -> memref<8x128xf32, #tpu.memory_space<vmem>>
    tpu.wait_dma2 semaphore(%arg13 : memref<!tpu.dma_semaphore, #tpu.memory_space<semaphore_mem>>) src(%dma_wait3A_49 : memref<8x128xf32, #tpu.memory_space<vmem>>) dst(%dma_wait3A_46 : memref<8x128xf32, #tpu.memory_space<hbm>>)
    %dma_wait3A_50 = arith.constant 0 : i32
    %dma_wait3A_51 = arith.constant 0 : i32
    %dma_wait3A_52 = arith.constant 0 : i32
    %dma_wait3A_53 = arith.constant 0 : i32
    %dma_wait3A_54 = arith.constant 0 : i32
    %dma_wait3A_55 = tpu.memref_slice %arg8[%dma_wait3A_53, %dma_wait3A_54] : memref<32x133xf32, #tpu.memory_space<vmem>> -> memref<8x128xf32, #tpu.memory_space<vmem>>
    %dma_wait3A_56 = arith.constant 0 : i32
    %dma_wait3A_57 = arith.constant 0 : i32
    %dma_wait3A_58 = tpu.memref_slice %arg4[%dma_wait3A_50, %dma_wait3A_51, %dma_wait3A_52, %dma_wait3A_56, %dma_wait3A_57] : memref<200x4x32x8x128xf32, #tpu.memory_space<hbm>> -> memref<1x1x1x8x128xf32, #tpu.memory_space<hbm>>
    %dma_wait3A_59 = tpu.memref_squeeze %dma_wait3A_58 : memref<1x1x1x8x128xf32, #tpu.memory_space<hbm>> -> memref<8x128xf32, #tpu.memory_space<hbm>>
    %dma_wait3A_60 = arith.constant 0 : i32
    %dma_wait3A_61 = arith.constant 0 : i32
    %dma_wait3A_62 = tpu.memref_slice %arg4[%dma_wait3A_50, %dma_wait3A_51, %dma_wait3A_52, %dma_wait3A_60, %dma_wait3A_61] : memref<200x4x32x8x128xf32, #tpu.memory_space<hbm>> -> memref<1x1x1x8x128xf32, #tpu.memory_space<hbm>>
    %dma_wait3A_63 = tpu.memref_squeeze %dma_wait3A_62 : memref<1x1x1x8x128xf32, #tpu.memory_space<hbm>> -> memref<8x128xf32, #tpu.memory_space<hbm>>
    %dma_wait3A_64 = arith.constant 0 : i32
    %dma_wait3A_65 = arith.constant 0 : i32
    %dma_wait3A_66 = tpu.memref_slice %arg8[%dma_wait3A_64, %dma_wait3A_65] : memref<32x133xf32, #tpu.memory_space<vmem>> -> memref<8x128xf32, #tpu.memory_space<vmem>>
    tpu.wait_dma2 semaphore(%arg13 : memref<!tpu.dma_semaphore, #tpu.memory_space<semaphore_mem>>) src(%dma_wait3A_66 : memref<8x128xf32, #tpu.memory_space<vmem>>) dst(%dma_wait3A_63 : memref<8x128xf32, #tpu.memory_space<hbm>>)
    %dma_wait3A_67 = arith.constant 0 : i32
    %dma_wait3A_68 = arith.constant 0 : i32
    %dma_wait3A_69 = arith.constant 0 : i32
    %dma_wait3A_70 = arith.constant 0 : i32
    %dma_wait3A_71 = arith.constant 0 : i32
    %dma_wait3A_72 = tpu.memref_slice %arg8[%dma_wait3A_70, %dma_wait3A_71] : memref<32x133xf32, #tpu.memory_space<vmem>> -> memref<8x128xf32, #tpu.memory_space<vmem>>
    %dma_wait3A_73 = arith.constant 0 : i32
    %dma_wait3A_74 = arith.constant 0 : i32
    %dma_wait3A_75 = tpu.memref_slice %arg4[%dma_wait3A_67, %dma_wait3A_68, %dma_wait3A_69, %dma_wait3A_73, %dma_wait3A_74] : memref<200x4x32x8x128xf32, #tpu.memory_space<hbm>> -> memref<1x1x1x8x128xf32, #tpu.memory_space<hbm>>
    %dma_wait3A_76 = tpu.memref_squeeze %dma_wait3A_75 : memref<1x1x1x8x128xf32, #tpu.memory_space<hbm>> -> memref<8x128xf32, #tpu.memory_space<hbm>>
    %dma_wait3A_77 = arith.constant 0 : i32
    %dma_wait3A_78 = arith.constant 0 : i32
    %dma_wait3A_79 = tpu.memref_slice %arg4[%dma_wait3A_67, %dma_wait3A_68, %dma_wait3A_69, %dma_wait3A_77, %dma_wait3A_78] : memref<200x4x32x8x128xf32, #tpu.memory_space<hbm>> -> memref<1x1x1x8x128xf32, #tpu.memory_space<hbm>>
    %dma_wait3A_80 = tpu.memref_squeeze %dma_wait3A_79 : memref<1x1x1x8x128xf32, #tpu.memory_space<hbm>> -> memref<8x128xf32, #tpu.memory_space<hbm>>
    %dma_wait3A_81 = arith.constant 0 : i32
    %dma_wait3A_82 = arith.constant 0 : i32
    %dma_wait3A_83 = tpu.memref_slice %arg8[%dma_wait3A_81, %dma_wait3A_82] : memref<32x133xf32, #tpu.memory_space<vmem>> -> memref<8x128xf32, #tpu.memory_space<vmem>>
    tpu.wait_dma2 semaphore(%arg13 : memref<!tpu.dma_semaphore, #tpu.memory_space<semaphore_mem>>) src(%dma_wait3A_83 : memref<8x128xf32, #tpu.memory_space<vmem>>) dst(%dma_wait3A_80 : memref<8x128xf32, #tpu.memory_space<hbm>>)
    %dma_wait3A_84 = arith.constant 0 : i32
    %dma_wait3A_85 = arith.constant 0 : i32
    %dma_wait3A_86 = arith.constant 0 : i32
    %dma_wait3A_87 = arith.constant 0 : i32
    %dma_wait3A_88 = arith.constant 0 : i32
    %dma_wait3A_89 = tpu.memref_slice %arg9[%dma_wait3A_87, %dma_wait3A_88] : memref<32x133xf32, #tpu.memory_space<vmem>> -> memref<8x128xf32, #tpu.memory_space<vmem>>
    %dma_wait3A_90 = arith.constant 0 : i32
    %dma_wait3A_91 = arith.constant 0 : i32
    %dma_wait3A_92 = tpu.memref_slice %arg4[%dma_wait3A_84, %dma_wait3A_85, %dma_wait3A_86, %dma_wait3A_90, %dma_wait3A_91] : memref<200x4x32x8x128xf32, #tpu.memory_space<hbm>> -> memref<1x1x1x8x128xf32, #tpu.memory_space<hbm>>
    %dma_wait3A_93 = tpu.memref_squeeze %dma_wait3A_92 : memref<1x1x1x8x128xf32, #tpu.memory_space<hbm>> -> memref<8x128xf32, #tpu.memory_space<hbm>>
    %dma_wait3A_94 = arith.constant 0 : i32
    %dma_wait3A_95 = arith.constant 0 : i32
    %dma_wait3A_96 = tpu.memref_slice %arg4[%dma_wait3A_84, %dma_wait3A_85, %dma_wait3A_86, %dma_wait3A_94, %dma_wait3A_95] : memref<200x4x32x8x128xf32, #tpu.memory_space<hbm>> -> memref<1x1x1x8x128xf32, #tpu.memory_space<hbm>>
    %dma_wait3A_97 = tpu.memref_squeeze %dma_wait3A_96 : memref<1x1x1x8x128xf32, #tpu.memory_space<hbm>> -> memref<8x128xf32, #tpu.memory_space<hbm>>
    %dma_wait3A_98 = arith.constant 0 : i32
    %dma_wait3A_99 = arith.constant 0 : i32
    %dma_wait3A_100 = tpu.memref_slice %arg9[%dma_wait3A_98, %dma_wait3A_99] : memref<32x133xf32, #tpu.memory_space<vmem>> -> memref<8x128xf32, #tpu.memory_space<vmem>>
    tpu.wait_dma2 semaphore(%arg14 : memref<!tpu.dma_semaphore, #tpu.memory_space<semaphore_mem>>) src(%dma_wait3A_100 : memref<8x128xf32, #tpu.memory_space<vmem>>) dst(%dma_wait3A_97 : memref<8x128xf32, #tpu.memory_space<hbm>>)
    %dma_wait3A_101 = arith.constant 0 : i32
    %dma_wait3A_102 = arith.constant 0 : i32
    %dma_wait3A_103 = arith.constant 0 : i32
    %dma_wait3A_104 = arith.constant 0 : i32
    %dma_wait3A_105 = arith.constant 0 : i32
    %dma_wait3A_106 = tpu.memref_slice %arg9[%dma_wait3A_104, %dma_wait3A_105] : memref<32x133xf32, #tpu.memory_space<vmem>> -> memref<8x128xf32, #tpu.memory_space<vmem>>
    %dma_wait3A_107 = arith.constant 0 : i32
    %dma_wait3A_108 = arith.constant 0 : i32
    %dma_wait3A_109 = tpu.memref_slice %arg4[%dma_wait3A_101, %dma_wait3A_102, %dma_wait3A_103, %dma_wait3A_107, %dma_wait3A_108] : memref<200x4x32x8x128xf32, #tpu.memory_space<hbm>> -> memref<1x1x1x8x128xf32, #tpu.memory_space<hbm>>
    %dma_wait3A_110 = tpu.memref_squeeze %dma_wait3A_109 : memref<1x1x1x8x128xf32, #tpu.memory_space<hbm>> -> memref<8x128xf32, #tpu.memory_space<hbm>>
    %dma_wait3A_111 = arith.constant 0 : i32
    %dma_wait3A_112 = arith.constant 0 : i32
    %dma_wait3A_113 = tpu.memref_slice %arg4[%dma_wait3A_101, %dma_wait3A_102, %dma_wait3A_103, %dma_wait3A_111, %dma_wait3A_112] : memref<200x4x32x8x128xf32, #tpu.memory_space<hbm>> -> memref<1x1x1x8x128xf32, #tpu.memory_space<hbm>>
    %dma_wait3A_114 = tpu.memref_squeeze %dma_wait3A_113 : memref<1x1x1x8x128xf32, #tpu.memory_space<hbm>> -> memref<8x128xf32, #tpu.memory_space<hbm>>
    %dma_wait3A_115 = arith.constant 0 : i32
    %dma_wait3A_116 = arith.constant 0 : i32
    %dma_wait3A_117 = tpu.memref_slice %arg9[%dma_wait3A_115, %dma_wait3A_116] : memref<32x133xf32, #tpu.memory_space<vmem>> -> memref<8x128xf32, #tpu.memory_space<vmem>>
    tpu.wait_dma2 semaphore(%arg14 : memref<!tpu.dma_semaphore, #tpu.memory_space<semaphore_mem>>) src(%dma_wait3A_117 : memref<8x128xf32, #tpu.memory_space<vmem>>) dst(%dma_wait3A_114 : memref<8x128xf32, #tpu.memory_space<hbm>>)
    %dma_wait3A_118 = arith.constant 0 : i32
    %dma_wait3A_119 = arith.constant 0 : i32
    %dma_wait3A_120 = arith.constant 0 : i32
    %dma_wait3A_121 = arith.constant 0 : i32
    %dma_wait3A_122 = arith.constant 0 : i32
    %dma_wait3A_123 = tpu.memref_slice %arg9[%dma_wait3A_121, %dma_wait3A_122] : memref<32x133xf32, #tpu.memory_space<vmem>> -> memref<8x128xf32, #tpu.memory_space<vmem>>
    %dma_wait3A_124 = arith.constant 0 : i32
    %dma_wait3A_125 = arith.constant 0 : i32
    %dma_wait3A_126 = tpu.memref_slice %arg4[%dma_wait3A_118, %dma_wait3A_119, %dma_wait3A_120, %dma_wait3A_124, %dma_wait3A_125] : memref<200x4x32x8x128xf32, #tpu.memory_space<hbm>> -> memref<1x1x1x8x128xf32, #tpu.memory_space<hbm>>
    %dma_wait3A_127 = tpu.memref_squeeze %dma_wait3A_126 : memref<1x1x1x8x128xf32, #tpu.memory_space<hbm>> -> memref<8x128xf32, #tpu.memory_space<hbm>>
    %dma_wait3A_128 = arith.constant 0 : i32
    %dma_wait3A_129 = arith.constant 0 : i32
    %dma_wait3A_130 = tpu.memref_slice %arg4[%dma_wait3A_118, %dma_wait3A_119, %dma_wait3A_120, %dma_wait3A_128, %dma_wait3A_129] : memref<200x4x32x8x128xf32, #tpu.memory_space<hbm>> -> memref<1x1x1x8x128xf32, #tpu.memory_space<hbm>>
    %dma_wait3A_131 = tpu.memref_squeeze %dma_wait3A_130 : memref<1x1x1x8x128xf32, #tpu.memory_space<hbm>> -> memref<8x128xf32, #tpu.memory_space<hbm>>
    %dma_wait3A_132 = arith.constant 0 : i32
    %dma_wait3A_133 = arith.constant 0 : i32
    %dma_wait3A_134 = tpu.memref_slice %arg9[%dma_wait3A_132, %dma_wait3A_133] : memref<32x133xf32, #tpu.memory_space<vmem>> -> memref<8x128xf32, #tpu.memory_space<vmem>>
    tpu.wait_dma2 semaphore(%arg14 : memref<!tpu.dma_semaphore, #tpu.memory_space<semaphore_mem>>) src(%dma_wait3A_134 : memref<8x128xf32, #tpu.memory_space<vmem>>) dst(%dma_wait3A_131 : memref<8x128xf32, #tpu.memory_space<hbm>>)
    %dma_wait3A_135 = arith.constant 0 : i32
    %dma_wait3A_136 = arith.constant 0 : i32
    %dma_wait3A_137 = arith.constant 0 : i32
    %dma_wait3A_138 = arith.constant 0 : i32
    %dma_wait3A_139 = arith.constant 0 : i32
    %dma_wait3A_140 = tpu.memref_slice %arg9[%dma_wait3A_138, %dma_wait3A_139] : memref<32x133xf32, #tpu.memory_space<vmem>> -> memref<8x128xf32, #tpu.memory_space<vmem>>
    %dma_wait3A_141 = arith.constant 0 : i32
    %dma_wait3A_142 = arith.constant 0 : i32
    %dma_wait3A_143 = tpu.memref_slice %arg4[%dma_wait3A_135, %dma_wait3A_136, %dma_wait3A_137, %dma_wait3A_141, %dma_wait3A_142] : memref<200x4x32x8x128xf32, #tpu.memory_space<hbm>> -> memref<1x1x1x8x128xf32, #tpu.memory_space<hbm>>
    %dma_wait3A_144 = tpu.memref_squeeze %dma_wait3A_143 : memref<1x1x1x8x128xf32, #tpu.memory_space<hbm>> -> memref<8x128xf32, #tpu.memory_space<hbm>>
    %dma_wait3A_145 = arith.constant 0 : i32
    %dma_wait3A_146 = arith.constant 0 : i32
    %dma_wait3A_147 = tpu.memref_slice %arg4[%dma_wait3A_135, %dma_wait3A_136, %dma_wait3A_137, %dma_wait3A_145, %dma_wait3A_146] : memref<200x4x32x8x128xf32, #tpu.memory_space<hbm>> -> memref<1x1x1x8x128xf32, #tpu.memory_space<hbm>>
    %dma_wait3A_148 = tpu.memref_squeeze %dma_wait3A_147 : memref<1x1x1x8x128xf32, #tpu.memory_space<hbm>> -> memref<8x128xf32, #tpu.memory_space<hbm>>
    %dma_wait3A_149 = arith.constant 0 : i32
    %dma_wait3A_150 = arith.constant 0 : i32
    %dma_wait3A_151 = tpu.memref_slice %arg9[%dma_wait3A_149, %dma_wait3A_150] : memref<32x133xf32, #tpu.memory_space<vmem>> -> memref<8x128xf32, #tpu.memory_space<vmem>>
    tpu.wait_dma2 semaphore(%arg14 : memref<!tpu.dma_semaphore, #tpu.memory_space<semaphore_mem>>) src(%dma_wait3A_151 : memref<8x128xf32, #tpu.memory_space<vmem>>) dst(%dma_wait3A_148 : memref<8x128xf32, #tpu.memory_space<hbm>>)
    return
  }
}

</mosaic_0001>

<sc_bundles>
// kernel: kernel.3.cloned.1.call-start
scs
__scs_entry_jumppad:
0x0: {  	(pc) =	sbr.rel $0x88, $3  }
0x1: {  	(tag) =	ssettag $0x0;
	lr =	simm.s32 $0x1  }
0x2: {  	[smem:$0x3F9F] =	sst lr;
	_ =	strace $0xD0000000  }
0x3: {  	_ = 	snop  }
0x4: {  	_ = 	snop  }
0x5: {  	_ = 	snop  }
0x6: {  	_ = 	snop  }
0x7: {  	_ = 	snop  }
__scs_overlays_trampoline_lowered:
0x8: {  	[smem:$0x3FAE] =	sst s0  }
0x9: {  	[smem:$0x3FAF] =	sst s1  }
0xa: {  	[smem:$0x3FB0] =	sst s2  }
0xb: {  	[smem:$0x3FB1] =	sst s3  }
0xc: {  	[smem:$0x3FB2] =	sst s4  }
0xd: {  	[smem:$0x3FB3] =	sst s5  }
0xe: {  	[smem:$0x3FB4] =	sst s6  }
0xf: {  	[smem:$0x3FB5] =	sst s7  }
0x10: {  	[smem:$0x3FB6] =	sst s8  }
0x11: {  	[smem:$0x3FB7] =	sst s9;
	s0 =	simm.s32 @!p0 $0x0  }
0x12: {  	s1 =	sld [smem:$0x3F9D];
	s0 =	simm.s32 @p0 $0x1  }
0x13: {  	[smem:$0x3FB8] =	sst s0;
	s0 =	simm.s32 @!p1 $0x0  }
0x14: {  	s2 =	sld [smem:$0x3F9C];
	s0 =	simm.s32 @p1 $0x1  }
0x15: {  	[smem:$0x3FB9] =	sst s0;
	s0 =	simm.s32 @!p2 $0x0  }
0x16: {  	s3 =	sld [smem:$0x3FDB];
	s0 =	simm.s32 @p2 $0x1  }
0x17: {  	s4 =	simm.s32 $0x1BF5;
	[smem:$0x3FBB] =	sst s0  }
0x18: {  	s0 =	sld [smem:$0x3F9E];
	_ =	swait.ge [sflag:s4], $0x0  }
0x19: {  	s7 =	sld [smem:$0x3F9F]  }
0x1a: {  	s8 =	sadd.s32 $0xFFFFE003, lr  }
0x1b: {  	s9 =	sadd.s32 $0xFFFFFEF7, lr;
	s5 =	simm.s32 $0xFFFFFFFF;
	p2 =	slt.u32 s8, $0xFFFFF086  }
0x1c: {  	p1 =	slt.u32 s9, $0xF7A;
	s5 =	simm.s32 @!p2 $0x0  }
0x1d: {  	s5 =	simm.s32 @p1 $0x1;
	p0 =	seq.s32 s7, s2  }
0x1e: {  	s7 =	smul.u32 @!p0 $0xF7A, s2;
	p2 =	seq.s32 @!p0 s5, $0x0  }
0x1f: {  	s9 =	smul.u32 $0xF7A, s1;
	s8 =	simm.s32 @!p0 $0x1BF5;
	p2 =	por !p2, p0  }
0x20: {  	[sflag:s8] =	ssyncset.s32 @!p0 $0xFFFFF086;
	s6 =	sadd.s32 @!p0 s3, s7;
	s7 =	simm.s32 @!p0 $0x108  }
0x21: {  	s3 =	sadd.s32 s3, s9;
	s6 =	sadd.s32 @!p0 $0x88, s6;
	s7 =	simm.s32 @p2 $0x1082  }
0x22: {  	[simem:s7], [sflag:s8] =	dma.local @!p0 [hbm:s6], $0xF7A  }
0x23: {  	s9 =	sor.u32 $0xD0000000, s2;
	s6 =	simm.s32 $0x108;
	_ =	swait.ge @!p0 [sflag:s8], $0x0  }
0x24: {  	s3 =	sadd.s32 $0x88, s3;
	s6 =	simm.s32 @!p1 $0x1082;
	[sflag:s4] =	ssyncset.s32 $0xFFFFF086  }
0x25: {  	[simem:s6], [sflag:s4] =	dma.local [hbm:s3], $0xF7A  }
0x26: {  	[smem:$0x3F9F] =	sst s1;
	(tag) =	ssettag s2;
	_ =	strace s9  }
0x27: {  	s1 =	sld [smem:$0x3FAF]  }
0x28: {  	s2 =	sld [smem:$0x3FB0]  }
0x29: {  	s4 =	sld [smem:$0x3FB2]  }
0x2a: {  	p0 =	seq.s32 s5, $0x0;
	s5 =	sld [smem:$0x3FB3]  }
0x2b: {  	s6 =	sld [smem:$0x3FB4]  }
0x2c: {  	s7 =	sld [smem:$0x3FB5]  }
0x2d: {  	s3 =	simm.s32 $0x108;
	s8 =	sld [smem:$0x3FB6]  }
0x2e: {  	s3 =	simm.s32 @!p0 $0x1082;
	s9 =	sld [smem:$0x3FB7]  }
0x2f: {  	lr =	sadd.s32 s0, s3;
	s0 =	sld [smem:$0x3FAE]  }
0x30: {  	s3 =	sld [smem:$0x3FB1]  }
0x31: {  	[smem:$0x3FBA] =	sst s10  }
0x32: {  	s10 =	sld [smem:$0x3FB8];
	_ =	sdelay $0x3  }
0x33: {  	p0 =	seq.s32 s10, $0x1;
	s10 =	sld [smem:$0x3FBA];
	_ =	sdelay $0x3  }
0x34: {  	[smem:$0x3FBA] =	sst s10  }
0x35: {  	s10 =	sld [smem:$0x3FB9];
	_ =	sdelay $0x3  }
0x36: {  	p1 =	seq.s32 s10, $0x1;
	s10 =	sld [smem:$0x3FBA];
	_ =	sdelay $0x3  }
0x37: {  	[smem:$0x3FBA] =	sst s10  }
0x38: {  	s10 =	sld [smem:$0x3FBB]  }
0x39: {  	_ = 	snop;
	(pc) =	sbr.ind lr, $3  }
0x3a: {  	_ = 	snop  }
0x3b: {  	_ = 	snop  }
0x3c: {  	p2 =	seq.s32 s10, $0x1;
	s10 =	sld [smem:$0x3FBA]  }
0x3d: {  	_ =	shalt  }
0x3e: {  	_ =	shalt  }
0x3f: {  	_ =	shalt  }
0x40: {  	_ =	shalt  }
0x41: {  	_ =	shalt  }
0x42: {  	_ =	shalt  }
0x43: {  	_ =	shalt  }
0x44: {  	_ =	shalt  }
0x45: {  	_ =	shalt  }
0x46: {  	_ =	shalt  }
0x47: {  	_ =	shalt  }
0x48: {  	_ =	shalt  }
0x49: {  	_ =	shalt  }
0x4a: {  	_ =	shalt  }
0x4b: {  	_ =	shalt  }
0x4c: {  	_ =	shalt  }
0x4d: {  	_ =	shalt  }
0x4e: {  	_ =	shalt  }
0x4f: {  	_ =	shalt  }
0x50: {  	_ =	shalt  }
0x51: {  	_ =	shalt  }
0x52: {  	_ =	shalt  }
0x53: {  	_ =	shalt  }
0x54: {  	_ =	shalt  }
0x55: {  	_ =	shalt  }
0x56: {  	_ =	shalt  }
0x57: {  	_ =	shalt  }
0x58: {  	_ =	shalt  }
0x59: {  	_ =	shalt  }
0x5a: {  	_ =	shalt  }
0x5b: {  	_ =	shalt  }
0x5c: {  	_ =	shalt  }
0x5d: {  	_ =	shalt  }
0x5e: {  	_ =	shalt  }
0x5f: {  	_ =	shalt  }
0x60: {  	_ =	shalt  }
0x61: {  	_ =	shalt  }
0x62: {  	_ =	shalt  }
0x63: {  	_ =	shalt  }
0x64: {  	_ =	shalt  }
0x65: {  	_ =	shalt  }
0x66: {  	_ =	shalt  }
0x67: {  	_ =	shalt  }
0x68: {  	_ =	shalt  }
0x69: {  	_ =	shalt  }
0x6a: {  	_ =	shalt  }
0x6b: {  	_ =	shalt  }
0x6c: {  	_ =	shalt  }
0x6d: {  	_ =	shalt  }
0x6e: {  	_ =	shalt  }
0x6f: {  	_ =	shalt  }
0x70: {  	_ =	shalt  }
0x71: {  	_ =	shalt  }
0x72: {  	_ =	shalt  }
0x73: {  	_ =	shalt  }
0x74: {  	_ =	shalt  }
0x75: {  	_ =	shalt  }
0x76: {  	_ =	shalt  }
0x77: {  	_ =	shalt  }
0x78: {  	_ =	shalt  }
0x79: {  	_ =	shalt  }
0x7a: {  	_ =	shalt  }
0x7b: {  	_ =	shalt  }
0x7c: {  	_ =	shalt  }
0x7d: {  	_ =	shalt  }
0x7e: {  	_ =	shalt  }
0x7f: {  	_ =	shalt  }
0x80: {  	_ =	shalt  }
0x81: {  	_ =	shalt  }
0x82: {  	_ =	shalt  }
0x83: {  	_ =	shalt  }
0x84: {  	_ =	shalt  }
0x85: {  	_ =	shalt  }
0x86: {  	_ =	shalt  }
0x87: {  	_ =	shalt  }
.Lfunc_end0:
.L_simem_size_0:
called_computation_lowered:
.L_overlay_start_0:
0x88: {  	s2 =	sld [smem:$0x3FD9]  }
0x89: {  	s3 =	sld [smem:$0x3FFE];
	_ =	sdelay $0x1  }
0x8a: {  	s1 =	srdreg.scid  }
0x8b: {  	s0 =	sand.u32 $0x1, s1  }
0x8c: {  	s17 =	sshll.u32 s0, $0xA;
	s2 =	sadd.s32 s3, s2  }
0x8d: {  	s2 =	sadd.s32 s2, s17  }
0x8e: {  	[smem:$0x3FC6] =	sst s2  }
0x8f: {  	_ = 	snop  }
0x90: {  	s2 =	sld [smem:$0x3FD0];
	(tm) =	ssettm $0x1  }
0x91: {  	s18 =	sld [smem:$0x3FFB];
	_ =	sdelay $0x3  }
0x92: {  	_ =	strace s18  }
0x93: {  	s3 =	sld [smem:$0x3FFC];
	_ =	sdelay $0x3  }
0x94: {  	_ =	strace s3  }
0x95: {  	s3 =	sld [smem:$0x3FFD];
	_ =	sdelay $0x3  }
0x96: {  	_ =	strace s3  }
0x97: {  	_ =	strace $0x8FFFFFFF  }
0x98: {  	s19 =	sld [smem:$0x3FDB];
	_ =	sdelay $0x1  }
0x99: {  	s4 =	simm.s32 $_scs_section_size  }
0x9a: {  	s5 =	simm.s32 $_size__tile_overlayer_lowered;
	s6 =	simm.s32 $_tile_overlayer_lowered  }
0x9b: {  	s22 =	simm.s32 $0x1BFF;
	s21 =	sshll.u32 s6, $0x1;
	s3 =	sadd.s32 s4, s19  }
0x9c: {  	s7 =	simm.s32 $0x0;
	s20 =	sshll.u32 s5, $0x1;
	s5 =	sadd.s32 s21, s3  }
0x9d: {  	[timem:s7], [sflag:s22] =	dma.local [hbm:s5], s20  }
0x9e: {  	_ =	swait.ge [sflag:s22], s20  }
0x9f: {  	s4 =	ssub.s32 $0x0, s20;
	[sflag:s22] =	ssyncset.done $0x0  }
0xa0: {  	[sflag:s22] =	ssyncadd.s32 s4;
	_ =	sdelay $0x1  }
0xa1: {  	s23 =	simm.s32 $0x1B8B  }
0xa2: {  	_ =	swait.ge [sflag:s23], $0x1  }
0xa3: {  	[sflag:s23] =	ssyncset.done $0x0  }
0xa4: {  	s25 =	simm.s32 $0x1B8E;
	s24 =	sld [smem:$0x3FFE];
	[sflag:s23] =	ssyncadd.s32 $0xFFFFFFFF  }
0xa5: {  	s26 =	simm.s32 $execute0_lowered;
	[smem:$0x3FD2] =	sst s25  }
0xa6: {  	s5 =	sshll.u32 s26, $0x1;
	_ =	strace $0x80000046;
	[dreg:$0x1] =	wrdreg $0xFFFFFFFF  }
0xa7: {  	s28 =	simm.s32 $_size_execute0_lowered;
	s3 =	sadd.s32 s3, s5;
	[dreg:$0x0] =	wrdreg $0x0  }
0xa8: {  	s5 =	sshll.u32 s28, $0x1;
	[dreg:$0x2] =	wrdreg s3  }
0xa9: {  	[dreg:$0x3] =	wrdreg s5  }
0xaa: {  	[dreg:$0x4] =	wrdreg $0xC0  }
0xab: {  	_ =	task [dreg:s7], $0x5FFFF  }
0xac: {  	[dreg:$0x1] =	wrdreg $0xFFFFFFFF  }
0xad: {  	[dreg:$0x0] =	wrdreg $0x60  }
0xae: {  	[dreg:$0x2] =	wrdreg s24  }
0xaf: {  	[dreg:$0x3] =	wrdreg s2  }
0xb0: {  	[dreg:$0x4] =	wrdreg $0x9  }
0xb1: {  	_ =	task.clear_ibuf [dreg:s7], $0x5FFFF;
	_ =	strace $0x90000046  }
0xb2: {  	s29 =	simm.s32 $0x9;
	_ =	strace $0x80000048  }
0xb3: {  	_ =	swait.ge [sflag:s29], $0x1  }
0xb4: {  	[sflag:s29] =	ssyncadd.s32 $0xFFFFFFFF  }
0xb5: {  	_ =	strace $0x90000048  }
0xb6: {  	_ =	sfence  }
0xb7: {  	s30 =	sld [smem:$0x0];
	_ =	sdelay $0x2  }
0xb8: {  	s31 =	sshll.u32 s1, $0xD;
	s1 =	sshrl.u32 s1, $0x2  }
0xb9: {  	s3 =	sand.u32 $0x4000, s31;
	s1 =	sadd.s32 s1, s30  }
0xba: {  	s0 =	sor.u32 s3, s0;
	s1 =	sshll.u32 s1, $0x11  }
0xbb: {  	s0 =	sor.u32 s1, s0  }
0xbc: {  	s0 =	sadd.s32 $0x8F2B, s0  }
0xbd: {  	[sflag:s0] =	ssyncadd.remote.s32 $0x1  }
0xbe: {  	_ =	sfence.sel $0xFFFF  }
0xbf: {  	[dreg:$0x0] =	wrdreg $0xFFFFFFFF;
	(pc) =	sbr.abs _section_cstart, $3  }
0xc0: {  	[dreg:$0x1] =	wrdreg $0xFFFFFFFF  }
0xc1: {  	_ =	task.clear_ibuf [dreg:s7], $0x2FFFF;
	_ =	strace $0x9FFFFFFF  }
0xc2: {  	(tm) =	ssettm $0x7FFFFFFF  }
0xc3: {  	_ =	shalt  }
tec
execute0_lowered:
.L_overlay_start_1:
0x0: {  	(tag) =	ssettag $0x1  }
0x1: {  	s0 =	srdreg.scid  }
0x2: {  	s2 =	stileid.u32;
	s1 =	rddreg [dreg:$0x0]  }
0x3: {  	s12 =	simm.s32 $0x80;
	s15 =	simm.s32 $0x2;
	s16 =	simm.s32 $0x8400  }
0x4: {  	s28 =	simm.s32 $0x3;
	s29 =	simm.s32 $0x5;
	s30 =	simm.s32 $0x9500  }
0x5: {  	s10 =	simm.s32 $0xA138;
	s11 =	simm.s32 $0xA1C0;
	s13 =	simm.s32 $0xA248  }
0x6: {  	s14 =	simm.s32 $0xA2D0;
	s17 =	simm.s32 $0xA358;
	s18 =	simm.s32 $0xA3E0  }
0x7: {  	s19 =	simm.s32 $0xA468;
	s20 =	simm.s32 $0xA4F0;
	s21 =	simm.s32 $0xA578  }
0x8: {  	v0 =	vlaneseq.u32;
	s22 =	simm.s32 $0x0;
	s0 =	sand.u32 $0x1, s0;
	s3 =	sshll.u32 s2, $0x1  }
0x9: {  	v1 =	vimm.s32 $0x0;
	vm0 =	vcmask $0x300;
	s2 =	rddreg [dreg:$0x1];
	v0 =	vmul.u32 $0x88, v0;
	s5 =	sor.u32 s0, s3;
	s3 =	simm.s32 $0x0  }
0xa: {  	v1 =	vsel vm0, $0x3, v1;
	s0 =	ssub.s32 $0x2, s0;
	s8 =	sadd.s32 $0x2000, s2;
	s9 =	sadd.s32 $0x3000, s2  }
0xb: {  	s4 =	smul.u32 $0xC80, s5;
	[smem:$0x7FF] =	sst s3;
	s7 =	sshrl.u32 s0, $0x1;
	v2 =	vadd.s32 $0x880, v0;
	v3 =	vor.u32 $0x1, v0;
	v4 =	vadd.s32 $0x881, v0  }
0xc: {  	v5 =	vor.u32 $0x2, v0;
	v6 =	vadd.s32 $0x882, v0;
	v7 =	vor.u32 $0x3, v0;
	_ =	strace $0x80000047;
	s0 =	ssub.s32 s0, s7;
	s7 =	sadd.s32 $0x1000, s2  }
0xd: {  	v8 =	vadd.s32 $0x883, v0;
	v9 =	vor.u32 $0x4, v0;
	v10 =	vadd.s32 $0x884, v0;
	s6 =	sadd.s32 s4, s1;
	s4 =	sadd.s32 $0xF42A00, s1;
	s0 =	smax.u32 s0, $0x1  }
0xe: {  	v11 =	vor.u32 $0x5, v0;
	v12 =	vadd.s32 $0x885, v0;
	v13 =	vor.u32 $0x6, v0;
	s31 =	sadd.s32 $0x600, s6;
	s6 =	smul.u32 $0xC8, s5;
	[dreg:$0x4] =	wrdreg s0  }
0xf: {  	v14 =	vadd.s32 $0x886, v0;
	v15 =	vor.u32 $0x7, v0;
	v16 =	vadd.s32 $0x887, v0;
	s0 =	simm.s32 $0xA028;
	s5 =	simm.s32 $0xA0B0;
	[dreg:$0x3] =	wrdreg s31  }
.LBB2_1:
0x10: {  	[dreg:$0x5] =	wrdreg s22  }
0x11: {  	s1 =	rddreg [dreg:$0x3];
	s26 =	simm.s32 $0x1  }
0x12: {  	[tilespmem:s3], [sflag:$0x1] =	stream.linear.gather [hbm4b:s1+s3], $0x6400, $0x38;
	[tilespmem:$0xA600] =	vst v63  }
0x13: {  	_ =	swait.ge [sflag:s26], $0x6400  }
0x14: {  	[sflag:s26] =	ssyncset.done $0x0  }
0x15: {  	s31 =	simm.s32 $0x6400;
	s22 =	simm.s32 $0x0;
	[sflag:s26] =	ssyncadd.s32 $0xFFFF9C00  }
0x16: {  	[tilespmem:s31], [sflag:$0x2] =	stream.indirect.gather [hbm4b:s4+s12], $0x20, s3, s12, $0xb8;
	[tilespmem:$0xA600] =	vst v63  }
.LBB2_2:
0x17: {  	s23 =	sshllo.u32 s22, $0x1  }
0x18: {  	s1 =	sshll.u32 s23, $0x7  }
0x19: {  	s24 =	simm.s32 $0x7400;
	s1 =	sand.u32 $0x3FFFFF80, s1  }
0x1a: {  	[tilespmem:s24], [sflag:$0x3] =	stream.indirect.gather [hbm4b:s4+s12], $0x20, s1, s12, $0xb8;
	[tilespmem:$0xA600] =	vst v63  }
0x1b: {  	_ =	swait.ge [sflag:s15], $0x1000  }
0x1c: {  	p0 =	seq.s32 s22, $0x0;
	[sflag:s15] =	ssyncset.done $0x0  }
0x1d: {  	s1 =	simm.s32 @!p0 $0x4;
	[sflag:s15] =	ssyncadd.s32 $0xFFFFF000  }
0x1e: {  	_ =	swait.ge @!p0 [sflag:s1], $0x400  }
0x1f: {  	[sflag:s1] =	ssyncset.done @!p0 $0x0  }
0x20: {  	[sflag:s1] =	ssyncadd.s32 @!p0 $0xFFFFFC00  }
0x21: {  	_ =	swait.ge @!p0 [sflag:s1], $0x400  }
0x22: {  	[sflag:s1] =	ssyncset.done @!p0 $0x0  }
0x23: {  	[sflag:s1] =	ssyncadd.s32 @!p0 $0xFFFFFC00  }
0x24: {  	s25 =	simm.s32 $0x0;
	_ =	swait.ge @!p0 [sflag:s1], $0x400  }
0x25: {  	v17 =	vmov s25;
	[sflag:s1] =	ssyncset.done @!p0 $0x0  }
0x26: {  	v17 =	vshrl.u32 v17, $0x3;
	[sflag:s1] =	ssyncadd.s32 @!p0 $0xFFFFFC00  }
0x27: {  	v17 =	vshll.u32 v17, v1;
	_ =	swait.ge @!p0 [sflag:s1], $0x400  }
0x28: {  	v17 =	vbroadcast v17, $0x0;
	[sflag:s1] =	ssyncset.done @!p0 $0x0  }
0x29: {  	s25 =	simm.s32 $0x6480;
	[sflag:s1] =	ssyncadd.s32 @!p0 $0xFFFFFC00  }
0x2a: {  	v19 =	vadd.s32 v0, v17;
	v18 =	vld [tilespmem:s25+$0xFFFFFF80];
	_ =	sdelay $0x4  }
0x2b: {  	[tilespmem:v19+s16+$0x0] =	vst.idx.msk $0xffff, v18  }
0x2c: {  	s26 =	simm.s32 $0x1;
	v17 =	vadd.s32 v2, v17;
	v18 =	vld [tilespmem:s25+$0xFFFFFF90]  }
0x2d: {  	v19 =	vmov s26  }
0x2e: {  	v19 =	vshrl.u32 v19, $0x3  }
0x2f: {  	v19 =	vshll.u32 v19, v1  }
0x30: {  	v19 =	vbroadcast v19, $0x0  }
0x31: {  	[tilespmem:v17+s16+$0x0] =	vst.idx.msk $0xffff, v18  }
0x32: {  	v18 =	vadd.s32 v3, v19;
	v17 =	vld [tilespmem:s25+$0xFFFFFFA0];
	_ =	sdelay $0x4  }
0x33: {  	[tilespmem:v18+s16+$0x0] =	vst.idx.msk $0xffff, v17  }
0x34: {  	s24 =	simm.s32 $0x2;
	v18 =	vadd.s32 v4, v19;
	v17 =	vld [tilespmem:s25+$0xFFFFFFB0]  }
0x35: {  	v19 =	vmov s24  }
0x36: {  	v19 =	vshrl.u32 v19, $0x3  }
0x37: {  	v19 =	vshll.u32 v19, v1  }
0x38: {  	v19 =	vbroadcast v19, $0x0  }
0x39: {  	[tilespmem:v18+s16+$0x0] =	vst.idx.msk $0xffff, v17  }
0x3a: {  	v18 =	vadd.s32 v5, v19;
	v17 =	vld [tilespmem:s25+$0xFFFFFFC0];
	_ =	sdelay $0x4  }
0x3b: {  	[tilespmem:v18+s16+$0x0] =	vst.idx.msk $0xffff, v17  }
0x3c: {  	s26 =	simm.s32 $0x3;
	v18 =	vadd.s32 v6, v19;
	v17 =	vld [tilespmem:s25+$0xFFFFFFD0]  }
0x3d: {  	v19 =	vmov s26  }
0x3e: {  	v19 =	vshrl.u32 v19, $0x3  }
0x3f: {  	v19 =	vshll.u32 v19, v1  }
0x40: {  	v19 =	vbroadcast v19, $0x0  }
0x41: {  	[tilespmem:v18+s16+$0x0] =	vst.idx.msk $0xffff, v17  }
0x42: {  	v18 =	vadd.s32 v7, v19;
	v17 =	vld [tilespmem:s25+$0xFFFFFFE0];
	_ =	sdelay $0x4  }
0x43: {  	[tilespmem:v18+s16+$0x0] =	vst.idx.msk $0xffff, v17  }
0x44: {  	s24 =	simm.s32 $0x4;
	v18 =	vadd.s32 v8, v19;
	v17 =	vld [tilespmem:s25+$0xFFFFFFF0]  }
0x45: {  	v19 =	vmov s24  }
0x46: {  	v19 =	vshrl.u32 v19, $0x3  }
0x47: {  	v19 =	vshll.u32 v19, v1  }
0x48: {  	v19 =	vbroadcast v19, $0x0  }
0x49: {  	[tilespmem:v18+s16+$0x0] =	vst.idx.msk $0xffff, v17  }
0x4a: {  	v18 =	vadd.s32 v9, v19;
	v17 =	vld [tilespmem:s25+$0x0];
	_ =	sdelay $0x4  }
0x4b: {  	[tilespmem:v18+s16+$0x0] =	vst.idx.msk $0xffff, v17  }
0x4c: {  	s26 =	simm.s32 $0x5;
	v18 =	vadd.s32 v10, v19;
	v17 =	vld [tilespmem:s25+$0x10]  }
0x4d: {  	v19 =	vmov s26  }
0x4e: {  	v19 =	vshrl.u32 v19, $0x3  }
0x4f: {  	v19 =	vshll.u32 v19, v1  }
0x50: {  	v19 =	vbroadcast v19, $0x0  }
0x51: {  	[tilespmem:v18+s16+$0x0] =	vst.idx.msk $0xffff, v17  }
0x52: {  	v18 =	vadd.s32 v11, v19;
	v17 =	vld [tilespmem:s25+$0x20];
	_ =	sdelay $0x4  }
0x53: {  	[tilespmem:v18+s16+$0x0] =	vst.idx.msk $0xffff, v17  }
0x54: {  	s24 =	simm.s32 $0x6;
	v18 =	vadd.s32 v12, v19;
	v17 =	vld [tilespmem:s25+$0x30]  }
0x55: {  	v19 =	vmov s24  }
0x56: {  	v19 =	vshrl.u32 v19, $0x3  }
0x57: {  	v19 =	vshll.u32 v19, v1  }
0x58: {  	v19 =	vbroadcast v19, $0x0  }
0x59: {  	[tilespmem:v18+s16+$0x0] =	vst.idx.msk $0xffff, v17  }
0x5a: {  	v18 =	vadd.s32 v13, v19;
	v17 =	vld [tilespmem:s25+$0x40];
	_ =	sdelay $0x4  }
0x5b: {  	[tilespmem:v18+s16+$0x0] =	vst.idx.msk $0xffff, v17  }
0x5c: {  	s26 =	simm.s32 $0x7;
	v18 =	vadd.s32 v14, v19;
	v17 =	vld [tilespmem:s25+$0x50]  }
0x5d: {  	v19 =	vmov s26  }
0x5e: {  	v19 =	vshrl.u32 v19, $0x3  }
0x5f: {  	v19 =	vshll.u32 v19, v1  }
0x60: {  	v19 =	vbroadcast v19, $0x0  }
0x61: {  	[tilespmem:v18+s16+$0x0] =	vst.idx.msk $0xffff, v17  }
0x62: {  	v18 =	vadd.s32 v15, v19;
	v17 =	vld [tilespmem:s25+$0x60];
	_ =	sdelay $0x4  }
0x63: {  	s31 =	simm.s32 $0x17;
	[tilespmem:v18+s16+$0x0] =	vst.idx.msk $0xffff, v17  }
0x64: {  	s1 =	simm.s32 $0x8;
	s24 =	sshll.u32 s22, $0x1;
	s26 =	simm.s32 $0xF;
	v18 =	vadd.s32 v16, v19;
	v17 =	vld [tilespmem:s25+$0x70]  }
.LBB2_3:
0x65: {  	p1 =	sne.s32 s31, $0x7F;
	v19 =	vmov s1  }
0x66: {  	v19 =	vshrl.u32 v19, $0x3  }
0x67: {  	v19 =	vshll.u32 v19, v1  }
0x68: {  	v19 =	vbroadcast v19, $0x0  }
0x69: {  	s25 =	sadd.s32 $0x100, s25;
	[tilespmem:v18+s16+$0x0] =	vst.idx.msk $0xffff, v17  }
0x6a: {  	v17 =	vld [tilespmem:s25+$0xFFFFFF80];
	v18 =	vadd.s32 v0, v19;
	_ =	sdelay $0x4  }
0x6b: {  	[tilespmem:v18+s16+$0x0] =	vst.idx.msk $0xffff, v17  }
0x6c: {  	s1 =	sadd.s32 $0xFFFFFFFA, s26;
	v18 =	vadd.s32 v2, v19;
	v17 =	vld [tilespmem:s25+$0xFFFFFF90]  }
0x6d: {  	v19 =	vmov s1  }
0x6e: {  	v19 =	vshrl.u32 v19, $0x3  }
0x6f: {  	v19 =	vshll.u32 v19, v1  }
0x70: {  	v19 =	vbroadcast v19, $0x0  }
0x71: {  	[tilespmem:v18+s16+$0x0] =	vst.idx.msk $0xffff, v17  }
0x72: {  	v18 =	vadd.s32 v3, v19;
	v17 =	vld [tilespmem:s25+$0xFFFFFFA0];
	_ =	sdelay $0x4  }
0x73: {  	[tilespmem:v18+s16+$0x0] =	vst.idx.msk $0xffff, v17  }
0x74: {  	s1 =	sadd.s32 $0xFFFFFFFB, s26;
	v18 =	vadd.s32 v4, v19;
	v17 =	vld [tilespmem:s25+$0xFFFFFFB0]  }
0x75: {  	v19 =	vmov s1  }
0x76: {  	v19 =	vshrl.u32 v19, $0x3  }
0x77: {  	v19 =	vshll.u32 v19, v1  }
0x78: {  	v19 =	vbroadcast v19, $0x0  }
0x79: {  	[tilespmem:v18+s16+$0x0] =	vst.idx.msk $0xffff, v17  }
0x7a: {  	v18 =	vadd.s32 v5, v19;
	v17 =	vld [tilespmem:s25+$0xFFFFFFC0];
	_ =	sdelay $0x4  }
0x7b: {  	[tilespmem:v18+s16+$0x0] =	vst.idx.msk $0xffff, v17  }
0x7c: {  	s1 =	sadd.s32 $0xFFFFFFFC, s26;
	v18 =	vadd.s32 v6, v19;
	v17 =	vld [tilespmem:s25+$0xFFFFFFD0]  }
0x7d: {  	v19 =	vmov s1  }
0x7e: {  	v19 =	vshrl.u32 v19, $0x3  }
0x7f: {  	v19 =	vshll.u32 v19, v1  }
0x80: {  	v19 =	vbroadcast v19, $0x0  }
0x81: {  	[tilespmem:v18+s16+$0x0] =	vst.idx.msk $0xffff, v17  }
0x82: {  	v18 =	vadd.s32 v7, v19;
	v17 =	vld [tilespmem:s25+$0xFFFFFFE0];
	_ =	sdelay $0x4  }
0x83: {  	[tilespmem:v18+s16+$0x0] =	vst.idx.msk $0xffff, v17  }
0x84: {  	s1 =	sadd.s32 $0xFFFFFFFD, s26;
	v18 =	vadd.s32 v8, v19;
	v17 =	vld [tilespmem:s25+$0xFFFFFFF0]  }
0x85: {  	v19 =	vmov s1  }
0x86: {  	v19 =	vshrl.u32 v19, $0x3  }
0x87: {  	v19 =	vshll.u32 v19, v1  }
0x88: {  	v19 =	vbroadcast v19, $0x0  }
0x89: {  	[tilespmem:v18+s16+$0x0] =	vst.idx.msk $0xffff, v17  }
0x8a: {  	v18 =	vadd.s32 v9, v19;
	v17 =	vld [tilespmem:s25+$0x0];
	_ =	sdelay $0x4  }
0x8b: {  	[tilespmem:v18+s16+$0x0] =	vst.idx.msk $0xffff, v17  }
0x8c: {  	s1 =	sadd.s32 $0xFFFFFFFE, s26;
	v18 =	vadd.s32 v10, v19;
	v17 =	vld [tilespmem:s25+$0x10]  }
0x8d: {  	v19 =	vmov s1  }
0x8e: {  	v19 =	vshrl.u32 v19, $0x3  }
0x8f: {  	v19 =	vshll.u32 v19, v1  }
0x90: {  	v19 =	vbroadcast v19, $0x0  }
0x91: {  	[tilespmem:v18+s16+$0x0] =	vst.idx.msk $0xffff, v17  }
0x92: {  	v18 =	vadd.s32 v11, v19;
	v17 =	vld [tilespmem:s25+$0x20];
	_ =	sdelay $0x4  }
0x93: {  	[tilespmem:v18+s16+$0x0] =	vst.idx.msk $0xffff, v17  }
0x94: {  	s1 =	sadd.s32 $0xFFFFFFFF, s26;
	v18 =	vadd.s32 v12, v19;
	v17 =	vld [tilespmem:s25+$0x30]  }
0x95: {  	v19 =	vmov s1  }
0x96: {  	v19 =	vshrl.u32 v19, $0x3  }
0x97: {  	v19 =	vshll.u32 v19, v1  }
0x98: {  	v19 =	vbroadcast v19, $0x0  }
0x99: {  	[tilespmem:v18+s16+$0x0] =	vst.idx.msk $0xffff, v17  }
0x9a: {  	v18 =	vadd.s32 v13, v19;
	v17 =	vld [tilespmem:s25+$0x40];
	_ =	sdelay $0x4  }
0x9b: {  	[tilespmem:v18+s16+$0x0] =	vst.idx.msk $0xffff, v17  }
0x9c: {  	v18 =	vadd.s32 v14, v19;
	v17 =	vld [tilespmem:s25+$0x50]  }
0x9d: {  	v19 =	vmov s26;
	s26 =	smov.u32 s31  }
0x9e: {  	v19 =	vshrl.u32 v19, $0x3  }
0x9f: {  	v19 =	vshll.u32 v19, v1  }
0xa0: {  	v19 =	vbroadcast v19, $0x0  }
0xa1: {  	[tilespmem:v18+s16+$0x0] =	vst.idx.msk $0xffff, v17  }
0xa2: {  	v18 =	vadd.s32 v15, v19;
	v17 =	vld [tilespmem:s25+$0x60];
	_ =	sdelay $0x1  }
.Ltmp0:
0xa3: {  	(pc) =	sbr.rel @p1 .LBB2_3-.Ltmp0, $3  }
0xa4: {  	_ =	sdelay $0x1  }
0xa5: {  	[tilespmem:v18+s16+$0x0] =	vst.idx.msk $0xffff, v17  }
0xa6: {  	s31 =	sadd.s32 $0x8, s31;
	s1 =	sadd.s32 $0xFFFFFFF9, s26;
	v18 =	vadd.s32 v16, v19;
	v17 =	vld [tilespmem:s25+$0x70]  }
0xa7: {  	v19 =	vmov s1  }
0xa8: {  	v19 =	vshrl.u32 v19, $0x3  }
0xa9: {  	v19 =	vshll.u32 v19, v1  }
0xaa: {  	v19 =	vbroadcast v19, $0x0  }
0xab: {  	s25 =	sadd.s32 $0x100, s25;
	[tilespmem:v18+s16+$0x0] =	vst.idx.msk $0xffff, v17  }
0xac: {  	v17 =	vld [tilespmem:s25+$0xFFFFFF80];
	v18 =	vadd.s32 v0, v19;
	_ =	sdelay $0x4  }
0xad: {  	[tilespmem:v18+s16+$0x0] =	vst.idx.msk $0xffff, v17  }
0xae: {  	s31 =	sadd.s32 $0xFFFFFFFA, s26;
	v18 =	vadd.s32 v2, v19;
	v17 =	vld [tilespmem:s25+$0xFFFFFF90]  }
0xaf: {  	v19 =	vmov s31  }
0xb0: {  	v19 =	vshrl.u32 v19, $0x3  }
0xb1: {  	v19 =	vshll.u32 v19, v1  }
0xb2: {  	v19 =	vbroadcast v19, $0x0  }
0xb3: {  	[tilespmem:v18+s16+$0x0] =	vst.idx.msk $0xffff, v17  }
0xb4: {  	v18 =	vadd.s32 v3, v19;
	v17 =	vld [tilespmem:s25+$0xFFFFFFA0];
	_ =	sdelay $0x4  }
0xb5: {  	[tilespmem:v18+s16+$0x0] =	vst.idx.msk $0xffff, v17  }
0xb6: {  	s31 =	sadd.s32 $0xFFFFFFFB, s26;
	v18 =	vadd.s32 v4, v19;
	v17 =	vld [tilespmem:s25+$0xFFFFFFB0]  }
0xb7: {  	v19 =	vmov s31  }
0xb8: {  	v19 =	vshrl.u32 v19, $0x3  }
0xb9: {  	v19 =	vshll.u32 v19, v1  }
0xba: {  	v19 =	vbroadcast v19, $0x0  }
0xbb: {  	[tilespmem:v18+s16+$0x0] =	vst.idx.msk $0xffff, v17  }
0xbc: {  	v18 =	vadd.s32 v5, v19;
	v17 =	vld [tilespmem:s25+$0xFFFFFFC0];
	_ =	sdelay $0x4  }
0xbd: {  	[tilespmem:v18+s16+$0x0] =	vst.idx.msk $0xffff, v17  }
0xbe: {  	s31 =	sadd.s32 $0xFFFFFFFC, s26;
	v18 =	vadd.s32 v6, v19;
	v17 =	vld [tilespmem:s25+$0xFFFFFFD0]  }
0xbf: {  	v19 =	vmov s31  }
0xc0: {  	v19 =	vshrl.u32 v19, $0x3  }
0xc1: {  	v19 =	vshll.u32 v19, v1  }
0xc2: {  	v19 =	vbroadcast v19, $0x0  }
0xc3: {  	[tilespmem:v18+s16+$0x0] =	vst.idx.msk $0xffff, v17  }
0xc4: {  	v18 =	vadd.s32 v7, v19;
	v17 =	vld [tilespmem:s25+$0xFFFFFFE0];
	_ =	sdelay $0x4  }
0xc5: {  	[tilespmem:v18+s16+$0x0] =	vst.idx.msk $0xffff, v17  }
0xc6: {  	s31 =	sadd.s32 $0xFFFFFFFD, s26;
	v18 =	vadd.s32 v8, v19;
	v17 =	vld [tilespmem:s25+$0xFFFFFFF0]  }
0xc7: {  	v19 =	vmov s31  }
0xc8: {  	v19 =	vshrl.u32 v19, $0x3  }
0xc9: {  	v19 =	vshll.u32 v19, v1  }
0xca: {  	v19 =	vbroadcast v19, $0x0  }
0xcb: {  	[tilespmem:v18+s16+$0x0] =	vst.idx.msk $0xffff, v17  }
0xcc: {  	v18 =	vadd.s32 v9, v19;
	v17 =	vld [tilespmem:s25+$0x0];
	_ =	sdelay $0x4  }
0xcd: {  	[tilespmem:v18+s16+$0x0] =	vst.idx.msk $0xffff, v17  }
0xce: {  	s31 =	sadd.s32 $0xFFFFFFFE, s26;
	v18 =	vadd.s32 v10, v19;
	v17 =	vld [tilespmem:s25+$0x10]  }
0xcf: {  	v19 =	vmov s31  }
0xd0: {  	v19 =	vshrl.u32 v19, $0x3  }
0xd1: {  	v19 =	vshll.u32 v19, v1  }
0xd2: {  	v19 =	vbroadcast v19, $0x0  }
0xd3: {  	[tilespmem:v18+s16+$0x0] =	vst.idx.msk $0xffff, v17  }
0xd4: {  	v18 =	vadd.s32 v11, v19;
	v17 =	vld [tilespmem:s25+$0x20];
	_ =	sdelay $0x4  }
0xd5: {  	[tilespmem:v18+s16+$0x0] =	vst.idx.msk $0xffff, v17  }
0xd6: {  	s31 =	sadd.s32 $0xFFFFFFFF, s26;
	v18 =	vadd.s32 v12, v19;
	v17 =	vld [tilespmem:s25+$0x30]  }
0xd7: {  	v19 =	vmov s31  }
0xd8: {  	v19 =	vshrl.u32 v19, $0x3  }
0xd9: {  	v19 =	vshll.u32 v19, v1  }
0xda: {  	v19 =	vbroadcast v19, $0x0  }
0xdb: {  	[tilespmem:v18+s16+$0x0] =	vst.idx.msk $0xffff, v17  }
0xdc: {  	v18 =	vadd.s32 v13, v19;
	v17 =	vld [tilespmem:s25+$0x40];
	_ =	sdelay $0x4  }
0xdd: {  	[tilespmem:v18+s16+$0x0] =	vst.idx.msk $0xffff, v17  }
0xde: {  	v18 =	vadd.s32 v14, v19;
	v17 =	vld [tilespmem:s25+$0x50]  }
0xdf: {  	v19 =	vmov s26  }
0xe0: {  	v19 =	vshrl.u32 v19, $0x3  }
0xe1: {  	v19 =	vshll.u32 v19, v1  }
0xe2: {  	v19 =	vbroadcast v19, $0x0  }
0xe3: {  	[tilespmem:v18+s16+$0x0] =	vst.idx.msk $0xffff, v17  }
0xe4: {  	v18 =	vadd.s32 v15, v19;
	v17 =	vld [tilespmem:s25+$0x60];
	_ =	sdelay $0x4  }
0xe5: {  	[tilespmem:v18+s16+$0x0] =	vst.idx.msk $0xffff, v17  }
0xe6: {  	v18 =	vadd.s32 v16, v19;
	v17 =	vld [tilespmem:s25+$0x70];
	_ =	sdelay $0x1  }
0xe7: {  	s25 =	sadd.s32 s6, s24  }
0xe8: {  	s24 =	sshll.u32 s25, $0x9;
	s1 =	sshll.u32 s25, $0x7  }
0xe9: {  	s24 =	sand.u32 $0xFFFC000, s24;
	s1 =	sand.u32 $0xF00, s1  }
0xea: {  	s1 =	sor.u32 s1, s24;
	[tilespmem:v18+s16+$0x0] =	vst.idx.msk $0xffff, v17  }
0xeb: {  	s24 =	sadd.s32 s2, s1;
	[bflag:$0x0] =	sbarrier.arrive $0xFFFF  }
0xec: {  	[hbm4b:s24+s3] =	stream.linear.scatter [tilespmem:s16], [sflag:$0x4], $0x80, $0x38;
	[tilespmem:$0xA600] =	vst v63  }
0xed: {  	s31 =	simm.s32 $0x8488;
	s26 =	sadd.s32 $0x10, s24  }
0xee: {  	[hbm4b:s26+s3] =	stream.linear.scatter [tilespmem:s31], [sflag:$0x4], $0x80, $0x38;
	[tilespmem:$0xA600] =	vst v63  }
0xef: {  	s26 =	sadd.s32 $0x20, s24;
	s31 =	simm.s32 $0x8510  }
0xf0: {  	[hbm4b:s26+s3] =	stream.linear.scatter [tilespmem:s31], [sflag:$0x4], $0x80, $0x38;
	[tilespmem:$0xA600] =	vst v63  }
0xf1: {  	s26 =	sadd.s32 $0x30, s24;
	s31 =	simm.s32 $0x8598  }
0xf2: {  	[hbm4b:s26+s3] =	stream.linear.scatter [tilespmem:s31], [sflag:$0x4], $0x80, $0x38;
	[tilespmem:$0xA600] =	vst v63  }
0xf3: {  	s26 =	sadd.s32 $0x40, s24;
	s31 =	simm.s32 $0x8620  }
0xf4: {  	[hbm4b:s26+s3] =	stream.linear.scatter [tilespmem:s31], [sflag:$0x4], $0x80, $0x38;
	[tilespmem:$0xA600] =	vst v63  }
0xf5: {  	s26 =	sadd.s32 $0x50, s24;
	s31 =	simm.s32 $0x86A8  }
0xf6: {  	[hbm4b:s26+s3] =	stream.linear.scatter [tilespmem:s31], [sflag:$0x4], $0x80, $0x38;
	[tilespmem:$0xA600] =	vst v63  }
0xf7: {  	s26 =	sadd.s32 $0x60, s24;
	s31 =	simm.s32 $0x8730  }
0xf8: {  	[hbm4b:s26+s3] =	stream.linear.scatter [tilespmem:s31], [sflag:$0x4], $0x80, $0x38;
	[tilespmem:$0xA600] =	vst v63  }
0xf9: {  	s24 =	sadd.s32 $0x70, s24;
	s26 =	simm.s32 $0x87B8  }
0xfa: {  	[hbm4b:s24+s3] =	stream.linear.scatter [tilespmem:s26], [sflag:$0x4], $0x80, $0x38;
	[tilespmem:$0xA600] =	vst v63  }
0xfb: {  	s31 =	simm.s32 $0x8840;
	s24 =	sadd.s32 s1, s7  }
0xfc: {  	[hbm4b:s24+s3] =	stream.linear.scatter [tilespmem:s31], [sflag:$0x4], $0x80, $0x38;
	[tilespmem:$0xA600] =	vst v63  }
0xfd: {  	s26 =	sadd.s32 $0x10, s24;
	s31 =	simm.s32 $0x88C8  }
0xfe: {  	[hbm4b:s26+s3] =	stream.linear.scatter [tilespmem:s31], [sflag:$0x4], $0x80, $0x38;
	[tilespmem:$0xA600] =	vst v63  }
0xff: {  	s26 =	sadd.s32 $0x20, s24;
	s31 =	simm.s32 $0x8950  }
0x100: {  	[hbm4b:s26+s3] =	stream.linear.scatter [tilespmem:s31], [sflag:$0x4], $0x80, $0x38;
	[tilespmem:$0xA600] =	vst v63  }
0x101: {  	s26 =	sadd.s32 $0x30, s24;
	s31 =	simm.s32 $0x89D8  }
0x102: {  	[hbm4b:s26+s3] =	stream.linear.scatter [tilespmem:s31], [sflag:$0x4], $0x80, $0x38;
	[tilespmem:$0xA600] =	vst v63  }
0x103: {  	s26 =	sadd.s32 $0x40, s24;
	s31 =	simm.s32 $0x8A60  }
0x104: {  	[hbm4b:s26+s3] =	stream.linear.scatter [tilespmem:s31], [sflag:$0x4], $0x80, $0x38;
	[tilespmem:$0xA600] =	vst v63  }
0x105: {  	s26 =	sadd.s32 $0x50, s24;
	s31 =	simm.s32 $0x8AE8  }
0x106: {  	[hbm4b:s26+s3] =	stream.linear.scatter [tilespmem:s31], [sflag:$0x4], $0x80, $0x38;
	[tilespmem:$0xA600] =	vst v63  }
0x107: {  	s26 =	sadd.s32 $0x60, s24;
	s31 =	simm.s32 $0x8B70  }
0x108: {  	[hbm4b:s26+s3] =	stream.linear.scatter [tilespmem:s31], [sflag:$0x4], $0x80, $0x38;
	[tilespmem:$0xA600] =	vst v63  }
0x109: {  	s24 =	sadd.s32 $0x70, s24;
	s26 =	simm.s32 $0x8BF8  }
0x10a: {  	[hbm4b:s24+s3] =	stream.linear.scatter [tilespmem:s26], [sflag:$0x4], $0x80, $0x38;
	[tilespmem:$0xA600] =	vst v63  }
0x10b: {  	s31 =	simm.s32 $0x8C80;
	s24 =	sadd.s32 s1, s8  }
0x10c: {  	[hbm4b:s24+s3] =	stream.linear.scatter [tilespmem:s31], [sflag:$0x4], $0x80, $0x38;
	[tilespmem:$0xA600] =	vst v63  }
0x10d: {  	s26 =	sadd.s32 $0x10, s24;
	s31 =	simm.s32 $0x8D08  }
0x10e: {  	[hbm4b:s26+s3] =	stream.linear.scatter [tilespmem:s31], [sflag:$0x4], $0x80, $0x38;
	[tilespmem:$0xA600] =	vst v63  }
0x10f: {  	s26 =	sadd.s32 $0x20, s24;
	s31 =	simm.s32 $0x8D90  }
0x110: {  	[hbm4b:s26+s3] =	stream.linear.scatter [tilespmem:s31], [sflag:$0x4], $0x80, $0x38;
	[tilespmem:$0xA600] =	vst v63  }
0x111: {  	s26 =	sadd.s32 $0x30, s24;
	s31 =	simm.s32 $0x8E18  }
0x112: {  	[hbm4b:s26+s3] =	stream.linear.scatter [tilespmem:s31], [sflag:$0x4], $0x80, $0x38;
	[tilespmem:$0xA600] =	vst v63  }
0x113: {  	s26 =	sadd.s32 $0x40, s24;
	s31 =	simm.s32 $0x8EA0  }
0x114: {  	[hbm4b:s26+s3] =	stream.linear.scatter [tilespmem:s31], [sflag:$0x4], $0x80, $0x38;
	[tilespmem:$0xA600] =	vst v63  }
0x115: {  	s26 =	sadd.s32 $0x50, s24;
	s31 =	simm.s32 $0x8F28  }
0x116: {  	[hbm4b:s26+s3] =	stream.linear.scatter [tilespmem:s31], [sflag:$0x4], $0x80, $0x38;
	[tilespmem:$0xA600] =	vst v63  }
0x117: {  	s26 =	sadd.s32 $0x60, s24;
	s31 =	simm.s32 $0x8FB0  }
0x118: {  	[hbm4b:s26+s3] =	stream.linear.scatter [tilespmem:s31], [sflag:$0x4], $0x80, $0x38;
	[tilespmem:$0xA600] =	vst v63  }
0x119: {  	s24 =	sadd.s32 $0x70, s24;
	s31 =	simm.s32 $0x9038  }
0x11a: {  	[hbm4b:s24+s3] =	stream.linear.scatter [tilespmem:s31], [sflag:$0x4], $0x80, $0x38;
	[tilespmem:$0xA600] =	vst v63  }
0x11b: {  	s25 =	simm.s32 $0x90C0;
	s1 =	sadd.s32 s1, s9  }
0x11c: {  	[hbm4b:s1+s3] =	stream.linear.scatter [tilespmem:s25], [sflag:$0x4], $0x80, $0x38;
	[tilespmem:$0xA600] =	vst v63  }
0x11d: {  	s26 =	sadd.s32 $0x10, s1;
	s31 =	simm.s32 $0x9148  }
0x11e: {  	[hbm4b:s26+s3] =	stream.linear.scatter [tilespmem:s31], [sflag:$0x4], $0x80, $0x38;
	[tilespmem:$0xA600] =	vst v63  }
0x11f: {  	s26 =	sadd.s32 $0x20, s1;
	s31 =	simm.s32 $0x91D0  }
0x120: {  	[hbm4b:s26+s3] =	stream.linear.scatter [tilespmem:s31], [sflag:$0x4], $0x80, $0x38;
	[tilespmem:$0xA600] =	vst v63  }
0x121: {  	s26 =	sadd.s32 $0x30, s1;
	s31 =	simm.s32 $0x9258  }
0x122: {  	[hbm4b:s26+s3] =	stream.linear.scatter [tilespmem:s31], [sflag:$0x4], $0x80, $0x38;
	[tilespmem:$0xA600] =	vst v63  }
0x123: {  	s26 =	sadd.s32 $0x40, s1;
	s31 =	simm.s32 $0x92E0  }
0x124: {  	[hbm4b:s26+s3] =	stream.linear.scatter [tilespmem:s31], [sflag:$0x4], $0x80, $0x38;
	[tilespmem:$0xA600] =	vst v63  }
0x125: {  	p1 =	sne.s32 s22, $0x63;
	s26 =	sadd.s32 $0x50, s1;
	s31 =	simm.s32 $0x9368  }
0x126: {  	[hbm4b:s26+s3] =	stream.linear.scatter [tilespmem:s31], [sflag:$0x4], $0x80, $0x38;
	[tilespmem:$0xA600] =	vst v63  }
.Ltmp1:
0x127: {  	_ = 	snop;
	(pc) =	sbr.rel @p1 .LBB2_6-.Ltmp1, $4  }
0x128: {  	s25 =	sadd.s32 $0x60, s1;
	s26 =	simm.s32 $0x93F0  }
0x129: {  	[hbm4b:s25+s3] =	stream.linear.scatter [tilespmem:s26], [sflag:$0x4], $0x80, $0x38;
	[tilespmem:$0xA600] =	vst v63  }
0x12a: {  	s1 =	sadd.s32 $0x70, s1;
	s31 =	simm.s32 $0x9478  }
0x12b: {  	[hbm4b:s1+s3] =	stream.linear.scatter [tilespmem:s31], [sflag:$0x4], $0x80, $0x38;
	[tilespmem:$0xA600] =	vst v63  }
.Ltmp2:
0x12c: {  	(pc) =	sbr.rel .LBB2_7-.Ltmp2, $4  }
0x12d: {  	_ = 	snop  }
0x12e: {  	_ =	swait.ge [sflag:s28], $0x1000  }
0x12f: {  	[sflag:s28] =	ssyncset.done $0x0  }
0x130: {  	[sflag:s28] =	ssyncadd.s32 $0xFFFFF000  }
.LBB2_6:
0x131: {  	s1 =	sshll.u32 s22, $0x8  }
0x132: {  	s1 =	sand.u32 $0x3FFFFF00, s1  }
.Ltmp3:
0x133: {  	s24 =	simm.s32 $0x6400;
	s1 =	sadd.s32 $0x100, s1;
	(pc) =	sbr.rel @p0 .LBB2_8-.Ltmp3, $4  }
0x134: {  	[tilespmem:s24], [sflag:$0x2] =	stream.indirect.gather [hbm4b:s4+s12], $0x20, s1, s12, $0xb8;
	[tilespmem:$0xA600] =	vst v63  }
0x135: {  	_ =	swait.ge [sflag:s28], $0x1000  }
0x136: {  	[sflag:s28] =	ssyncset.done $0x0  }
0x137: {  	[sflag:s28] =	ssyncadd.s32 $0xFFFFF000  }
.LBB2_7:
0x138: {  	_ =	swait.ge [sflag:s29], $0x400  }
0x139: {  	[sflag:s29] =	ssyncset.done $0x0  }
0x13a: {  	[sflag:s29] =	ssyncadd.s32 $0xFFFFFC00  }
0x13b: {  	_ =	swait.ge [sflag:s29], $0x400  }
0x13c: {  	[sflag:s29] =	ssyncset.done $0x0  }
0x13d: {  	[sflag:s29] =	ssyncadd.s32 $0xFFFFFC00  }
0x13e: {  	_ =	swait.ge [sflag:s29], $0x400  }
0x13f: {  	[sflag:s29] =	ssyncset.done $0x0  }
0x140: {  	[sflag:s29] =	ssyncadd.s32 $0xFFFFFC00  }
0x141: {  	_ =	swait.ge [sflag:s29], $0x400  }
0x142: {  	[sflag:s29] =	ssyncset.done $0x0  }
0x143: {  	[sflag:s29] =	ssyncadd.s32 $0xFFFFFC00  }
.LBB2_8:
0x144: {  	s1 =	simm.s32 $0x0  }
0x145: {  	v17 =	vmov s1  }
0x146: {  	v17 =	vshrl.u32 v17, $0x3  }
0x147: {  	v17 =	vshll.u32 v17, v1  }
0x148: {  	v17 =	vbroadcast v17, $0x0  }
0x149: {  	s24 =	simm.s32 $0x7480  }
0x14a: {  	v18 =	vld [tilespmem:s24+$0xFFFFFF80];
	v19 =	vadd.s32 v0, v17;
	_ =	sdelay $0x4  }
0x14b: {  	[tilespmem:v19+s30+$0x0] =	vst.idx.msk $0xffff, v18  }
0x14c: {  	s31 =	simm.s32 $0x1;
	v17 =	vadd.s32 v2, v17;
	v18 =	vld [tilespmem:s24+$0xFFFFFF90]  }
0x14d: {  	v19 =	vmov s31  }
0x14e: {  	v19 =	vshrl.u32 v19, $0x3  }
0x14f: {  	v19 =	vshll.u32 v19, v1  }
0x150: {  	v19 =	vbroadcast v19, $0x0  }
0x151: {  	[tilespmem:v17+s30+$0x0] =	vst.idx.msk $0xffff, v18  }
0x152: {  	v18 =	vadd.s32 v3, v19;
	v17 =	vld [tilespmem:s24+$0xFFFFFFA0];
	_ =	sdelay $0x4  }
0x153: {  	[tilespmem:v18+s30+$0x0] =	vst.idx.msk $0xffff, v17  }
0x154: {  	s25 =	simm.s32 $0x2;
	v18 =	vadd.s32 v4, v19;
	v17 =	vld [tilespmem:s24+$0xFFFFFFB0]  }
0x155: {  	v19 =	vmov s25  }
0x156: {  	v19 =	vshrl.u32 v19, $0x3  }
0x157: {  	v19 =	vshll.u32 v19, v1  }
0x158: {  	v19 =	vbroadcast v19, $0x0  }
0x159: {  	[tilespmem:v18+s30+$0x0] =	vst.idx.msk $0xffff, v17  }
0x15a: {  	v18 =	vadd.s32 v5, v19;
	v17 =	vld [tilespmem:s24+$0xFFFFFFC0];
	_ =	sdelay $0x4  }
0x15b: {  	[tilespmem:v18+s30+$0x0] =	vst.idx.msk $0xffff, v17  }
0x15c: {  	s26 =	simm.s32 $0x3;
	v18 =	vadd.s32 v6, v19;
	v17 =	vld [tilespmem:s24+$0xFFFFFFD0]  }
0x15d: {  	v19 =	vmov s26  }
0x15e: {  	v19 =	vshrl.u32 v19, $0x3  }
0x15f: {  	v19 =	vshll.u32 v19, v1  }
0x160: {  	v19 =	vbroadcast v19, $0x0  }
0x161: {  	[tilespmem:v18+s30+$0x0] =	vst.idx.msk $0xffff, v17  }
0x162: {  	v18 =	vadd.s32 v7, v19;
	v17 =	vld [tilespmem:s24+$0xFFFFFFE0];
	_ =	sdelay $0x4  }
0x163: {  	[tilespmem:v18+s30+$0x0] =	vst.idx.msk $0xffff, v17  }
0x164: {  	s31 =	simm.s32 $0x4;
	v18 =	vadd.s32 v8, v19;
	v17 =	vld [tilespmem:s24+$0xFFFFFFF0]  }
0x165: {  	v19 =	vmov s31  }
0x166: {  	v19 =	vshrl.u32 v19, $0x3  }
0x167: {  	v19 =	vshll.u32 v19, v1  }
0x168: {  	v19 =	vbroadcast v19, $0x0  }
0x169: {  	[tilespmem:v18+s30+$0x0] =	vst.idx.msk $0xffff, v17  }
0x16a: {  	v18 =	vadd.s32 v9, v19;
	v17 =	vld [tilespmem:s24+$0x0];
	_ =	sdelay $0x4  }
0x16b: {  	[tilespmem:v18+s30+$0x0] =	vst.idx.msk $0xffff, v17  }
0x16c: {  	s25 =	simm.s32 $0x5;
	v18 =	vadd.s32 v10, v19;
	v17 =	vld [tilespmem:s24+$0x10]  }
0x16d: {  	v19 =	vmov s25  }
0x16e: {  	v19 =	vshrl.u32 v19, $0x3  }
0x16f: {  	v19 =	vshll.u32 v19, v1  }
0x170: {  	v19 =	vbroadcast v19, $0x0  }
0x171: {  	[tilespmem:v18+s30+$0x0] =	vst.idx.msk $0xffff, v17  }
0x172: {  	v18 =	vadd.s32 v11, v19;
	v17 =	vld [tilespmem:s24+$0x20];
	_ =	sdelay $0x4  }
0x173: {  	[tilespmem:v18+s30+$0x0] =	vst.idx.msk $0xffff, v17  }
0x174: {  	s26 =	simm.s32 $0x6;
	v18 =	vadd.s32 v12, v19;
	v17 =	vld [tilespmem:s24+$0x30]  }
0x175: {  	v19 =	vmov s26  }
0x176: {  	v19 =	vshrl.u32 v19, $0x3  }
0x177: {  	v19 =	vshll.u32 v19, v1  }
0x178: {  	v19 =	vbroadcast v19, $0x0  }
0x179: {  	[tilespmem:v18+s30+$0x0] =	vst.idx.msk $0xffff, v17  }
0x17a: {  	v18 =	vadd.s32 v13, v19;
	v17 =	vld [tilespmem:s24+$0x40];
	_ =	sdelay $0x4  }
0x17b: {  	[tilespmem:v18+s30+$0x0] =	vst.idx.msk $0xffff, v17  }
0x17c: {  	s31 =	simm.s32 $0x7;
	v18 =	vadd.s32 v14, v19;
	v17 =	vld [tilespmem:s24+$0x50]  }
0x17d: {  	v19 =	vmov s31  }
0x17e: {  	v19 =	vshrl.u32 v19, $0x3  }
0x17f: {  	v19 =	vshll.u32 v19, v1  }
0x180: {  	v19 =	vbroadcast v19, $0x0  }
0x181: {  	[tilespmem:v18+s30+$0x0] =	vst.idx.msk $0xffff, v17  }
0x182: {  	v18 =	vadd.s32 v15, v19;
	v17 =	vld [tilespmem:s24+$0x60];
	_ =	sdelay $0x4  }
0x183: {  	[tilespmem:v18+s30+$0x0] =	vst.idx.msk $0xffff, v17  }
0x184: {  	s1 =	simm.s32 $0x8;
	s25 =	simm.s32 $0xF;
	s26 =	simm.s32 $0x17;
	v18 =	vadd.s32 v16, v19;
	v17 =	vld [tilespmem:s24+$0x70]  }
.LBB2_9:
0x185: {  	p0 =	sne.s32 s26, $0x7F;
	v19 =	vmov s1  }
0x186: {  	v19 =	vshrl.u32 v19, $0x3  }
0x187: {  	v19 =	vshll.u32 v19, v1  }
0x188: {  	v19 =	vbroadcast v19, $0x0  }
0x189: {  	s24 =	sadd.s32 $0x100, s24;
	[tilespmem:v18+s30+$0x0] =	vst.idx.msk $0xffff, v17  }
0x18a: {  	v17 =	vld [tilespmem:s24+$0xFFFFFF80];
	v18 =	vadd.s32 v0, v19;
	_ =	sdelay $0x4  }
0x18b: {  	[tilespmem:v18+s30+$0x0] =	vst.idx.msk $0xffff, v17  }
0x18c: {  	s1 =	sadd.s32 $0xFFFFFFFA, s25;
	v18 =	vadd.s32 v2, v19;
	v17 =	vld [tilespmem:s24+$0xFFFFFF90]  }
0x18d: {  	v19 =	vmov s1  }
0x18e: {  	v19 =	vshrl.u32 v19, $0x3  }
0x18f: {  	v19 =	vshll.u32 v19, v1  }
0x190: {  	v19 =	vbroadcast v19, $0x0  }
0x191: {  	[tilespmem:v18+s30+$0x0] =	vst.idx.msk $0xffff, v17  }
0x192: {  	v18 =	vadd.s32 v3, v19;
	v17 =	vld [tilespmem:s24+$0xFFFFFFA0];
	_ =	sdelay $0x4  }
0x193: {  	[tilespmem:v18+s30+$0x0] =	vst.idx.msk $0xffff, v17  }
0x194: {  	s1 =	sadd.s32 $0xFFFFFFFB, s25;
	v18 =	vadd.s32 v4, v19;
	v17 =	vld [tilespmem:s24+$0xFFFFFFB0]  }
0x195: {  	v19 =	vmov s1  }
0x196: {  	v19 =	vshrl.u32 v19, $0x3  }
0x197: {  	v19 =	vshll.u32 v19, v1  }
0x198: {  	v19 =	vbroadcast v19, $0x0  }
0x199: {  	[tilespmem:v18+s30+$0x0] =	vst.idx.msk $0xffff, v17  }
0x19a: {  	v18 =	vadd.s32 v5, v19;
	v17 =	vld [tilespmem:s24+$0xFFFFFFC0];
	_ =	sdelay $0x4  }
0x19b: {  	[tilespmem:v18+s30+$0x0] =	vst.idx.msk $0xffff, v17  }
0x19c: {  	s1 =	sadd.s32 $0xFFFFFFFC, s25;
	v18 =	vadd.s32 v6, v19;
	v17 =	vld [tilespmem:s24+$0xFFFFFFD0]  }
0x19d: {  	v19 =	vmov s1  }
0x19e: {  	v19 =	vshrl.u32 v19, $0x3  }
0x19f: {  	v19 =	vshll.u32 v19, v1  }
0x1a0: {  	v19 =	vbroadcast v19, $0x0  }
0x1a1: {  	[tilespmem:v18+s30+$0x0] =	vst.idx.msk $0xffff, v17  }
0x1a2: {  	v18 =	vadd.s32 v7, v19;
	v17 =	vld [tilespmem:s24+$0xFFFFFFE0];
	_ =	sdelay $0x4  }
0x1a3: {  	[tilespmem:v18+s30+$0x0] =	vst.idx.msk $0xffff, v17  }
0x1a4: {  	s1 =	sadd.s32 $0xFFFFFFFD, s25;
	v18 =	vadd.s32 v8, v19;
	v17 =	vld [tilespmem:s24+$0xFFFFFFF0]  }
0x1a5: {  	v19 =	vmov s1  }
0x1a6: {  	v19 =	vshrl.u32 v19, $0x3  }
0x1a7: {  	v19 =	vshll.u32 v19, v1  }
0x1a8: {  	v19 =	vbroadcast v19, $0x0  }
0x1a9: {  	[tilespmem:v18+s30+$0x0] =	vst.idx.msk $0xffff, v17  }
0x1aa: {  	v18 =	vadd.s32 v9, v19;
	v17 =	vld [tilespmem:s24+$0x0];
	_ =	sdelay $0x4  }
0x1ab: {  	[tilespmem:v18+s30+$0x0] =	vst.idx.msk $0xffff, v17  }
0x1ac: {  	s1 =	sadd.s32 $0xFFFFFFFE, s25;
	v18 =	vadd.s32 v10, v19;
	v17 =	vld [tilespmem:s24+$0x10]  }
0x1ad: {  	v19 =	vmov s1  }
0x1ae: {  	v19 =	vshrl.u32 v19, $0x3  }
0x1af: {  	v19 =	vshll.u32 v19, v1  }
0x1b0: {  	v19 =	vbroadcast v19, $0x0  }
0x1b1: {  	[tilespmem:v18+s30+$0x0] =	vst.idx.msk $0xffff, v17  }
0x1b2: {  	v18 =	vadd.s32 v11, v19;
	v17 =	vld [tilespmem:s24+$0x20];
	_ =	sdelay $0x4  }
0x1b3: {  	[tilespmem:v18+s30+$0x0] =	vst.idx.msk $0xffff, v17  }
0x1b4: {  	s1 =	sadd.s32 $0xFFFFFFFF, s25;
	v18 =	vadd.s32 v12, v19;
	v17 =	vld [tilespmem:s24+$0x30]  }
0x1b5: {  	v19 =	vmov s1  }
0x1b6: {  	v19 =	vshrl.u32 v19, $0x3  }
0x1b7: {  	v19 =	vshll.u32 v19, v1  }
0x1b8: {  	v19 =	vbroadcast v19, $0x0  }
0x1b9: {  	[tilespmem:v18+s30+$0x0] =	vst.idx.msk $0xffff, v17  }
0x1ba: {  	v18 =	vadd.s32 v13, v19;
	v17 =	vld [tilespmem:s24+$0x40];
	_ =	sdelay $0x4  }
0x1bb: {  	[tilespmem:v18+s30+$0x0] =	vst.idx.msk $0xffff, v17  }
0x1bc: {  	v18 =	vadd.s32 v14, v19;
	v17 =	vld [tilespmem:s24+$0x50]  }
0x1bd: {  	v19 =	vmov s25;
	s25 =	smov.u32 s26  }
0x1be: {  	v19 =	vshrl.u32 v19, $0x3  }
0x1bf: {  	v19 =	vshll.u32 v19, v1  }
0x1c0: {  	v19 =	vbroadcast v19, $0x0  }
0x1c1: {  	[tilespmem:v18+s30+$0x0] =	vst.idx.msk $0xffff, v17  }
0x1c2: {  	v18 =	vadd.s32 v15, v19;
	v17 =	vld [tilespmem:s24+$0x60];
	_ =	sdelay $0x1  }
.Ltmp4:
0x1c3: {  	(pc) =	sbr.rel @p0 .LBB2_9-.Ltmp4, $3  }
0x1c4: {  	_ =	sdelay $0x1  }
0x1c5: {  	[tilespmem:v18+s30+$0x0] =	vst.idx.msk $0xffff, v17  }
0x1c6: {  	s26 =	sadd.s32 $0x8, s26;
	s1 =	sadd.s32 $0xFFFFFFF9, s25;
	v18 =	vadd.s32 v16, v19;
	v17 =	vld [tilespmem:s24+$0x70]  }
0x1c7: {  	v19 =	vmov s1  }
0x1c8: {  	v19 =	vshrl.u32 v19, $0x3  }
0x1c9: {  	v19 =	vshll.u32 v19, v1  }
0x1ca: {  	v19 =	vbroadcast v19, $0x0  }
0x1cb: {  	s24 =	sadd.s32 $0x100, s24;
	[tilespmem:v18+s30+$0x0] =	vst.idx.msk $0xffff, v17  }
0x1cc: {  	v17 =	vld [tilespmem:s24+$0xFFFFFF80];
	v18 =	vadd.s32 v0, v19;
	_ =	sdelay $0x4  }
0x1cd: {  	[tilespmem:v18+s30+$0x0] =	vst.idx.msk $0xffff, v17  }
0x1ce: {  	s26 =	sadd.s32 $0xFFFFFFFA, s25;
	v18 =	vadd.s32 v2, v19;
	v17 =	vld [tilespmem:s24+$0xFFFFFF90]  }
0x1cf: {  	v19 =	vmov s26  }
0x1d0: {  	v19 =	vshrl.u32 v19, $0x3  }
0x1d1: {  	v19 =	vshll.u32 v19, v1  }
0x1d2: {  	v19 =	vbroadcast v19, $0x0  }
0x1d3: {  	[tilespmem:v18+s30+$0x0] =	vst.idx.msk $0xffff, v17  }
0x1d4: {  	v18 =	vadd.s32 v3, v19;
	v17 =	vld [tilespmem:s24+$0xFFFFFFA0];
	_ =	sdelay $0x4  }
0x1d5: {  	[tilespmem:v18+s30+$0x0] =	vst.idx.msk $0xffff, v17  }
0x1d6: {  	s31 =	sadd.s32 $0xFFFFFFFB, s25;
	v18 =	vadd.s32 v4, v19;
	v17 =	vld [tilespmem:s24+$0xFFFFFFB0]  }
0x1d7: {  	v19 =	vmov s31  }
0x1d8: {  	v19 =	vshrl.u32 v19, $0x3  }
0x1d9: {  	v19 =	vshll.u32 v19, v1  }
0x1da: {  	v19 =	vbroadcast v19, $0x0  }
0x1db: {  	[tilespmem:v18+s30+$0x0] =	vst.idx.msk $0xffff, v17  }
0x1dc: {  	v18 =	vadd.s32 v5, v19;
	v17 =	vld [tilespmem:s24+$0xFFFFFFC0];
	_ =	sdelay $0x4  }
0x1dd: {  	[tilespmem:v18+s30+$0x0] =	vst.idx.msk $0xffff, v17  }
0x1de: {  	s26 =	sadd.s32 $0xFFFFFFFC, s25;
	v18 =	vadd.s32 v6, v19;
	v17 =	vld [tilespmem:s24+$0xFFFFFFD0]  }
0x1df: {  	v19 =	vmov s26  }
0x1e0: {  	v19 =	vshrl.u32 v19, $0x3  }
0x1e1: {  	v19 =	vshll.u32 v19, v1  }
0x1e2: {  	v19 =	vbroadcast v19, $0x0  }
0x1e3: {  	[tilespmem:v18+s30+$0x0] =	vst.idx.msk $0xffff, v17  }
0x1e4: {  	v18 =	vadd.s32 v7, v19;
	v17 =	vld [tilespmem:s24+$0xFFFFFFE0];
	_ =	sdelay $0x4  }
0x1e5: {  	[tilespmem:v18+s30+$0x0] =	vst.idx.msk $0xffff, v17  }
0x1e6: {  	s31 =	sadd.s32 $0xFFFFFFFD, s25;
	v18 =	vadd.s32 v8, v19;
	v17 =	vld [tilespmem:s24+$0xFFFFFFF0]  }
0x1e7: {  	v19 =	vmov s31  }
0x1e8: {  	v19 =	vshrl.u32 v19, $0x3  }
0x1e9: {  	v19 =	vshll.u32 v19, v1  }
0x1ea: {  	v19 =	vbroadcast v19, $0x0  }
0x1eb: {  	[tilespmem:v18+s30+$0x0] =	vst.idx.msk $0xffff, v17  }
0x1ec: {  	v18 =	vadd.s32 v9, v19;
	v17 =	vld [tilespmem:s24+$0x0];
	_ =	sdelay $0x4  }
0x1ed: {  	[tilespmem:v18+s30+$0x0] =	vst.idx.msk $0xffff, v17  }
0x1ee: {  	s26 =	sadd.s32 $0xFFFFFFFE, s25;
	v18 =	vadd.s32 v10, v19;
	v17 =	vld [tilespmem:s24+$0x10]  }
0x1ef: {  	v19 =	vmov s26  }
0x1f0: {  	v19 =	vshrl.u32 v19, $0x3  }
0x1f1: {  	v19 =	vshll.u32 v19, v1  }
0x1f2: {  	v19 =	vbroadcast v19, $0x0  }
0x1f3: {  	[tilespmem:v18+s30+$0x0] =	vst.idx.msk $0xffff, v17  }
0x1f4: {  	v18 =	vadd.s32 v11, v19;
	v17 =	vld [tilespmem:s24+$0x20];
	_ =	sdelay $0x4  }
0x1f5: {  	[tilespmem:v18+s30+$0x0] =	vst.idx.msk $0xffff, v17  }
0x1f6: {  	s31 =	sadd.s32 $0xFFFFFFFF, s25;
	v18 =	vadd.s32 v12, v19;
	v17 =	vld [tilespmem:s24+$0x30]  }
0x1f7: {  	v19 =	vmov s31  }
0x1f8: {  	v19 =	vshrl.u32 v19, $0x3  }
0x1f9: {  	v19 =	vshll.u32 v19, v1  }
0x1fa: {  	v19 =	vbroadcast v19, $0x0  }
0x1fb: {  	[tilespmem:v18+s30+$0x0] =	vst.idx.msk $0xffff, v17  }
0x1fc: {  	v18 =	vadd.s32 v13, v19;
	v17 =	vld [tilespmem:s24+$0x40];
	_ =	sdelay $0x4  }
0x1fd: {  	[tilespmem:v18+s30+$0x0] =	vst.idx.msk $0xffff, v17  }
0x1fe: {  	v18 =	vadd.s32 v14, v19;
	v17 =	vld [tilespmem:s24+$0x50]  }
0x1ff: {  	v19 =	vmov s25  }
0x200: {  	v19 =	vshrl.u32 v19, $0x3  }
0x201: {  	v19 =	vshll.u32 v19, v1  }
0x202: {  	v19 =	vbroadcast v19, $0x0  }
0x203: {  	[tilespmem:v18+s30+$0x0] =	vst.idx.msk $0xffff, v17  }
0x204: {  	v18 =	vadd.s32 v15, v19;
	v17 =	vld [tilespmem:s24+$0x60];
	_ =	sdelay $0x4  }
0x205: {  	[tilespmem:v18+s30+$0x0] =	vst.idx.msk $0xffff, v17  }
0x206: {  	v18 =	vadd.s32 v16, v19;
	v17 =	vld [tilespmem:s24+$0x70];
	_ =	sdelay $0x1  }
0x207: {  	s25 =	sadd.s32 s6, s23  }
0x208: {  	s23 =	sshll.u32 s25, $0x9;
	s1 =	sshll.u32 s25, $0x7  }
0x209: {  	s23 =	sand.u32 $0xFFFC000, s23;
	s1 =	sand.u32 $0xF80, s1  }
0x20a: {  	s1 =	sor.u32 s1, s23;
	[tilespmem:v18+s30+$0x0] =	vst.idx.msk $0xffff, v17  }
0x20b: {  	s23 =	sadd.s32 s2, s1;
	[bflag:$0x0] =	sbarrier.arrive $0xFFFF  }
0x20c: {  	[hbm4b:s23+s3] =	stream.linear.scatter [tilespmem:s30], [sflag:$0x5], $0x80, $0x38;
	[tilespmem:$0xA600] =	vst v63  }
0x20d: {  	s31 =	simm.s32 $0x9588;
	s26 =	sadd.s32 $0x10, s23  }
0x20e: {  	[hbm4b:s26+s3] =	stream.linear.scatter [tilespmem:s31], [sflag:$0x5], $0x80, $0x38;
	[tilespmem:$0xA600] =	vst v63  }
0x20f: {  	s26 =	sadd.s32 $0x20, s23;
	s31 =	simm.s32 $0x9610  }
0x210: {  	[hbm4b:s26+s3] =	stream.linear.scatter [tilespmem:s31], [sflag:$0x5], $0x80, $0x38;
	[tilespmem:$0xA600] =	vst v63  }
0x211: {  	s26 =	sadd.s32 $0x30, s23;
	s31 =	simm.s32 $0x9698  }
0x212: {  	[hbm4b:s26+s3] =	stream.linear.scatter [tilespmem:s31], [sflag:$0x5], $0x80, $0x38;
	[tilespmem:$0xA600] =	vst v63  }
0x213: {  	s26 =	sadd.s32 $0x40, s23;
	s31 =	simm.s32 $0x9720  }
0x214: {  	[hbm4b:s26+s3] =	stream.linear.scatter [tilespmem:s31], [sflag:$0x5], $0x80, $0x38;
	[tilespmem:$0xA600] =	vst v63  }
0x215: {  	s26 =	sadd.s32 $0x50, s23;
	s31 =	simm.s32 $0x97A8  }
0x216: {  	[hbm4b:s26+s3] =	stream.linear.scatter [tilespmem:s31], [sflag:$0x5], $0x80, $0x38;
	[tilespmem:$0xA600] =	vst v63  }
0x217: {  	s25 =	sadd.s32 $0x60, s23;
	s26 =	simm.s32 $0x9830  }
0x218: {  	[hbm4b:s25+s3] =	stream.linear.scatter [tilespmem:s26], [sflag:$0x5], $0x80, $0x38;
	[tilespmem:$0xA600] =	vst v63  }
0x219: {  	s23 =	sadd.s32 $0x70, s23;
	s31 =	simm.s32 $0x98B8  }
0x21a: {  	[hbm4b:s23+s3] =	stream.linear.scatter [tilespmem:s31], [sflag:$0x5], $0x80, $0x38;
	[tilespmem:$0xA600] =	vst v63  }
0x21b: {  	s25 =	simm.s32 $0x9940;
	s23 =	sadd.s32 s1, s7  }
0x21c: {  	[hbm4b:s23+s3] =	stream.linear.scatter [tilespmem:s25], [sflag:$0x5], $0x80, $0x38;
	[tilespmem:$0xA600] =	vst v63  }
0x21d: {  	s31 =	simm.s32 $0x99C8;
	s26 =	sadd.s32 $0x10, s23  }
0x21e: {  	[hbm4b:s26+s3] =	stream.linear.scatter [tilespmem:s31], [sflag:$0x5], $0x80, $0x38;
	[tilespmem:$0xA600] =	vst v63  }
0x21f: {  	s26 =	sadd.s32 $0x20, s23;
	s31 =	simm.s32 $0x9A50  }
0x220: {  	[hbm4b:s26+s3] =	stream.linear.scatter [tilespmem:s31], [sflag:$0x5], $0x80, $0x38;
	[tilespmem:$0xA600] =	vst v63  }
0x221: {  	s26 =	sadd.s32 $0x30, s23;
	s31 =	simm.s32 $0x9AD8  }
0x222: {  	[hbm4b:s26+s3] =	stream.linear.scatter [tilespmem:s31], [sflag:$0x5], $0x80, $0x38;
	[tilespmem:$0xA600] =	vst v63  }
0x223: {  	s26 =	sadd.s32 $0x40, s23;
	s31 =	simm.s32 $0x9B60  }
0x224: {  	[hbm4b:s26+s3] =	stream.linear.scatter [tilespmem:s31], [sflag:$0x5], $0x80, $0x38;
	[tilespmem:$0xA600] =	vst v63  }
0x225: {  	s26 =	sadd.s32 $0x50, s23;
	s31 =	simm.s32 $0x9BE8  }
0x226: {  	[hbm4b:s26+s3] =	stream.linear.scatter [tilespmem:s31], [sflag:$0x5], $0x80, $0x38;
	[tilespmem:$0xA600] =	vst v63  }
0x227: {  	s25 =	sadd.s32 $0x60, s23;
	s26 =	simm.s32 $0x9C70  }
0x228: {  	[hbm4b:s25+s3] =	stream.linear.scatter [tilespmem:s26], [sflag:$0x5], $0x80, $0x38;
	[tilespmem:$0xA600] =	vst v63  }
0x229: {  	s23 =	sadd.s32 $0x70, s23;
	s31 =	simm.s32 $0x9CF8  }
0x22a: {  	[hbm4b:s23+s3] =	stream.linear.scatter [tilespmem:s31], [sflag:$0x5], $0x80, $0x38;
	[tilespmem:$0xA600] =	vst v63  }
0x22b: {  	s25 =	simm.s32 $0x9D80;
	s23 =	sadd.s32 s1, s8  }
0x22c: {  	[hbm4b:s23+s3] =	stream.linear.scatter [tilespmem:s25], [sflag:$0x5], $0x80, $0x38;
	[tilespmem:$0xA600] =	vst v63  }
0x22d: {  	s31 =	simm.s32 $0x9E08;
	s26 =	sadd.s32 $0x10, s23  }
0x22e: {  	[hbm4b:s26+s3] =	stream.linear.scatter [tilespmem:s31], [sflag:$0x5], $0x80, $0x38;
	[tilespmem:$0xA600] =	vst v63  }
0x22f: {  	s26 =	sadd.s32 $0x20, s23;
	s31 =	simm.s32 $0x9E90  }
0x230: {  	[hbm4b:s26+s3] =	stream.linear.scatter [tilespmem:s31], [sflag:$0x5], $0x80, $0x38;
	[tilespmem:$0xA600] =	vst v63  }
0x231: {  	s26 =	sadd.s32 $0x30, s23;
	s31 =	simm.s32 $0x9F18  }
0x232: {  	[hbm4b:s26+s3] =	stream.linear.scatter [tilespmem:s31], [sflag:$0x5], $0x80, $0x38;
	[tilespmem:$0xA600] =	vst v63  }
0x233: {  	s25 =	sadd.s32 $0x40, s23;
	s26 =	simm.s32 $0x9FA0  }
0x234: {  	[hbm4b:s25+s3] =	stream.linear.scatter [tilespmem:s26], [sflag:$0x5], $0x80, $0x38;
	[tilespmem:$0xA600] =	vst v63  }
0x235: {  	s31 =	sadd.s32 $0x50, s23  }
0x236: {  	[hbm4b:s31+s3] =	stream.linear.scatter [tilespmem:s0], [sflag:$0x5], $0x80, $0x38;
	[tilespmem:$0xA600] =	vst v63  }
0x237: {  	s25 =	sadd.s32 $0x60, s23  }
0x238: {  	[hbm4b:s25+s3] =	stream.linear.scatter [tilespmem:s5], [sflag:$0x5], $0x80, $0x38;
	[tilespmem:$0xA600] =	vst v63  }
0x239: {  	s23 =	sadd.s32 $0x70, s23  }
0x23a: {  	[hbm4b:s23+s3] =	stream.linear.scatter [tilespmem:s10], [sflag:$0x5], $0x80, $0x38;
	[tilespmem:$0xA600] =	vst v63  }
0x23b: {  	s1 =	sadd.s32 s1, s9  }
0x23c: {  	[hbm4b:s1+s3] =	stream.linear.scatter [tilespmem:s11], [sflag:$0x5], $0x80, $0x38;
	[tilespmem:$0xA600] =	vst v63  }
0x23d: {  	s26 =	sadd.s32 $0x10, s1  }
0x23e: {  	[hbm4b:s26+s3] =	stream.linear.scatter [tilespmem:s13], [sflag:$0x5], $0x80, $0x38;
	[tilespmem:$0xA600] =	vst v63  }
0x23f: {  	s31 =	sadd.s32 $0x20, s1  }
0x240: {  	[hbm4b:s31+s3] =	stream.linear.scatter [tilespmem:s14], [sflag:$0x5], $0x80, $0x38;
	[tilespmem:$0xA600] =	vst v63  }
0x241: {  	s24 =	sadd.s32 $0x30, s1  }
0x242: {  	[hbm4b:s24+s3] =	stream.linear.scatter [tilespmem:s17], [sflag:$0x5], $0x80, $0x38;
	[tilespmem:$0xA600] =	vst v63  }
0x243: {  	s22 =	sadd.s32 $0x1, s22;
	s25 =	sadd.s32 $0x40, s1  }
0x244: {  	[hbm4b:s25+s3] =	stream.linear.scatter [tilespmem:s18], [sflag:$0x5], $0x80, $0x38;
	[tilespmem:$0xA600] =	vst v63  }
0x245: {  	p0 =	sne.s32 s22, $0x64;
	s26 =	sadd.s32 $0x50, s1  }
0x246: {  	[hbm4b:s26+s3] =	stream.linear.scatter [tilespmem:s19], [sflag:$0x5], $0x80, $0x38;
	[tilespmem:$0xA600] =	vst v63  }
.Ltmp5:
0x247: {  	_ = 	snop;
	(pc) =	sbr.rel @p0 .LBB2_2-.Ltmp5, $4  }
0x248: {  	s31 =	sadd.s32 $0x60, s1  }
0x249: {  	[hbm4b:s31+s3] =	stream.linear.scatter [tilespmem:s20], [sflag:$0x5], $0x80, $0x38;
	[tilespmem:$0xA600] =	vst v63  }
0x24a: {  	s1 =	sadd.s32 $0x70, s1  }
0x24b: {  	[hbm4b:s1+s3] =	stream.linear.scatter [tilespmem:s21], [sflag:$0x5], $0x80, $0x38;
	[tilespmem:$0xA600] =	vst v63  }
0x24c: {  	s1 =	simm.s32 $0x4  }
0x24d: {  	_ =	swait.ge [sflag:s1], $0x400  }
0x24e: {  	[sflag:s1] =	ssyncset.done $0x0  }
0x24f: {  	[sflag:s1] =	ssyncadd.s32 $0xFFFFFC00  }
0x250: {  	_ =	swait.ge [sflag:s1], $0x400  }
0x251: {  	[sflag:s1] =	ssyncset.done $0x0  }
0x252: {  	[sflag:s1] =	ssyncadd.s32 $0xFFFFFC00  }
0x253: {  	_ =	swait.ge [sflag:s1], $0x400  }
0x254: {  	[sflag:s1] =	ssyncset.done $0x0  }
0x255: {  	[sflag:s1] =	ssyncadd.s32 $0xFFFFFC00  }
0x256: {  	_ =	swait.ge [sflag:s1], $0x400  }
0x257: {  	[sflag:s1] =	ssyncset.done $0x0  }
0x258: {  	[sflag:s1] =	ssyncadd.s32 $0xFFFFFC00  }
0x259: {  	_ =	swait.ge [sflag:s29], $0x400  }
0x25a: {  	[sflag:s29] =	ssyncset.done $0x0  }
0x25b: {  	[sflag:s29] =	ssyncadd.s32 $0xFFFFFC00  }
0x25c: {  	_ =	swait.ge [sflag:s29], $0x400  }
0x25d: {  	[sflag:s29] =	ssyncset.done $0x0  }
0x25e: {  	[sflag:s29] =	ssyncadd.s32 $0xFFFFFC00  }
0x25f: {  	_ =	swait.ge [sflag:s29], $0x400  }
0x260: {  	[sflag:s29] =	ssyncset.done $0x0  }
0x261: {  	[sflag:s29] =	ssyncadd.s32 $0xFFFFFC00  }
0x262: {  	_ =	swait.ge [sflag:s29], $0x400  }
0x263: {  	s22 =	rddreg [dreg:$0x5]  }
0x264: {  	s31 =	rddreg [dreg:$0x4];
	s22 =	sadd.s32 $0x1, s22  }
0x265: {  	p0 =	sne.s32 s22, s31  }
.Ltmp6:
0x266: {  	_ = 	snop;
	(pc) =	sbr.rel @p0 .LBB2_1-.Ltmp6, $3  }
0x267: {  	_ =	sdelay $0x1  }
0x268: {  	[sflag:s29] =	ssyncset.done $0x0  }
0x269: {  	[sflag:s29] =	ssyncadd.s32 $0xFFFFFC00  }
0x26a: {  	_ =	sfence.sel $0x180000  }
0x26b: {  	[bflag:$0x0] =	sbarrier.arrive $0xFFFF  }
0x26c: {  	_ =	strace $0x90000047  }
0x26d: {  	s0 =	stileid.u32;
	[bflag:$0x2] =	sbarrier.arrive $0xFFFF  }
0x26e: {  	p0 =	sne.s32 s0, $0x0;
	s0 =	rddreg [dreg:$0x2]  }
0x26f: {  	s0 =	sadd.s32 @!p0 $0x100000, s0  }
0x270: {  	[sflag:s0] =	ssyncadd.tile.s32 @!p0 $0x1;
	_ =	shalt  }
.Lfunc_end2:
_tile_overlayer_lowered:
.L_overlay_start_2:
0x271: {  	(tag) =	ssettag $0x2  }
0x272: {  	s0 =	rddreg [dreg:$0x0];
	s2 =	stileid.u32  }
0x273: {  	s1 =	rddreg [dreg:$0x1];
	p0 =	sne.s32 s2, $0x0  }
0x274: {  	s3 =	rddreg [dreg:$0x2];
	[bflag:$0x3] =	sbarrier.arrive $0xFFFF;
	s2 =	simm.s32 @!p0 $0x1C06  }
0x275: {  	[timem:s3], [sflag:s2] =	dma.local @!p0 [hbm:s0], s1  }
0x276: {  	s0 =	simm.s32 @!p0 $0x6  }
0x277: {  	_ =	swait.ge @!p0 [sflag:s0], s1  }
0x278: {  	s1 =	ssub.s32 @!p0 $0x0, s1;
	[sflag:s0] =	ssyncset.done @!p0 $0x0  }
0x279: {  	[sflag:s0] =	ssyncadd.s32 @!p0 s1  }
0x27a: {  	[bflag:$0x3] =	sbarrier.arrive $0xFFFF  }
0x27b: {  	_ =	shalt  }

</sc_bundles>
